<compile_context>
chip_gen: v7x
topology: tpu7x:2x2x1
jax: 0.10.2.dev20260603
libtpu: 0.0.44.dev20260713+nightly
codegen_flags: <defaults>
</compile_context>

<pallas_src>
import functools

import jax
import jax.numpy as jnp
from jax import lax
from jax.experimental import pallas as pl
from jax.experimental.pallas import tpu as pltpu
from jax.experimental.pallas import tpu_sc as plsc

_DIM = 16
_BATCH = 16384
_NC = 2
_NS = 16
_NW = _NC * _NS
_EDGES_PER_W = _BATCH // _NW
_ROWS_PER_W = 2 * _EDGES_PER_W
_CHUNK = 128
_NCHUNK = _ROWS_PER_W // _CHUNK
_GROUPS = _EDGES_PER_W // _DIM


def _rsqrt_scale(x):
    i = lax.bitcast_convert_type(x, jnp.int32)
    i = jnp.int32(0x5F3759DF) - lax.shift_right_arithmetic(
        i, jnp.full((_DIM,), 1, jnp.int32))
    y = lax.bitcast_convert_type(i, jnp.float32)
    for _ in range(3):
        y = y * (1.5 - 0.5 * x * y * y)
    return jnp.where(x > 1.0, y, jnp.full((_DIM,), 1.0, jnp.float32))


def _decoder_body(idx_hbm, table_hbm, out_hbm, idx_v, rows_v, probs_v, sem):
    wid = lax.axis_index("s") * _NC + lax.axis_index("c")

    pltpu.sync_copy(idx_hbm.at[pl.ds(wid * _NCHUNK, _NCHUNK), :], idx_v)

    copies = []
    for k in range(_NCHUNK):
        copies.append(
            pltpu.async_copy(
                table_hbm.at[idx_v.at[k]],
                rows_v.at[pl.ds(k * _CHUNK, _CHUNK), :],
                sem,
            ))
    for cp in copies:
        cp.wait()

    lane = lax.iota(jnp.int32, _DIM)

    def group(g, carry):
        base = g * (2 * _DIM)
        ss = jnp.zeros((_DIM,), jnp.float32)
        dd = jnp.zeros((_DIM,), jnp.float32)
        sd = jnp.zeros((_DIM,), jnp.float32)
        for e in range(_DIM):
            s = rows_v[base + 2 * e, :]
            d = rows_v[base + 2 * e + 1, :]
            m = lane == e
            ss = jnp.where(m, jnp.sum(s * s), ss)
            dd = jnp.where(m, jnp.sum(d * d), dd)
            sd = jnp.where(m, jnp.sum(s * d), sd)
        prod = sd * _rsqrt_scale(ss) * _rsqrt_scale(dd)
        probs_v[pl.ds(g * _DIM, _DIM)] = 1.0 / (1.0 + jnp.exp(-prod))
        return carry

    lax.fori_loop(0, _GROUPS, group, 0)

    pltpu.sync_copy(probs_v, out_hbm.at[pl.ds(wid * _EDGES_PER_W, _EDGES_PER_W)])


@jax.jit
def _decoder(idx2, table):
    mesh = plsc.VectorSubcoreMesh(core_axis_name="c", subcore_axis_name="s")
    return pl.kernel(
        _decoder_body,
        mesh=mesh,
        compiler_params=pltpu.CompilerParams(
            needs_layout_passes=False, use_tc_tiling_on_sc=False),
        out_type=jax.ShapeDtypeStruct((_BATCH,), jnp.float32),
        scratch_types=[
            pltpu.VMEM((_NCHUNK, _CHUNK), jnp.int32),
            pltpu.VMEM((_ROWS_PER_W, _DIM), jnp.float32),
            pltpu.VMEM((_EDGES_PER_W,), jnp.float32),
            pltpu.SemaphoreType.DMA,
        ],
    )(idx2, table)


def kernel(edges, table):
    idx2 = edges.astype(jnp.int32).reshape(_BATCH * 2 // _CHUNK, _CHUNK)
    return _decoder(idx2, table)

# --- scband reference (transcript-rebuilt; emitter-appended) ---
"""Pipeline reference for scband-dot-product-decoder-17248588660808 (READ-ONLY COPY).

The authoritative reference and input builder live on the scoring server;
editing this copy changes nothing except your own understanding.
"""

import jax, jax.numpy as jnp
import numpy as np

NUM_EMBEDDINGS = 1000000
EMBED_DIM = 16
BATCH = 16384
MAX_NORM = 1.0


def setup_inputs(seed: int = 0) -> dict:
    key = jax.random.key(seed)
    k1, k2 = jax.random.split(key)
    edges = jax.random.randint(k1, (BATCH, 2), 0, NUM_EMBEDDINGS, dtype=jnp.int64) if jax.config.jax_enable_x64 else jax.random.randint(k1, (BATCH, 2), 0, NUM_EMBEDDINGS).astype(jnp.int32)
    # Embedding table (learned parameter), same default init as torch.nn.Embedding (N(0,1))
    table = jax.random.normal(k2, (NUM_EMBEDDINGS, EMBED_DIM), dtype=jnp.float32)
    return {"edges": edges, "table": table}


def _embedding_lookup_max_norm(table, idx):
    # torch.nn.Embedding(max_norm=1, norm_type=2): rows are renormalized to L2 norm <= 1 at lookup time
    emb = jnp.take(table, idx, axis=0)
    norms = jnp.linalg.norm(emb, axis=-1, keepdims=True)
    scale = jnp.minimum(1.0, MAX_NORM / jnp.maximum(norms, 1e-7))
    return emb * scale


def reference(edges, table):
    # DotProductDecoder.forward(edges, as_logits=False)
    src_embs = _embedding_lookup_max_norm(table, edges[:, 0])
    dest_embs = _embedding_lookup_max_norm(table, edges[:, 1])
    prods = jnp.sum(src_embs * dest_embs, axis=1)
    probs = jax.nn.sigmoid(prods)
    return probs

if __name__ == "__main__":
    import jax
    _d = setup_inputs()
    print(jax.jit(kernel)(*tuple(_d.values())))

</pallas_src>

<mosaic_0001>
#map = affine_map<(d0, d1) -> (0, 0)>
#map1 = affine_map<(d0, d1) -> (0)>
module attributes {stable_mosaic.version = 14 : i64} {
  func.func @_decoder_body(%arg0: i32, %arg1: i32, %arg2: memref<256x128xi32, #tpu.memory_space<hbm>>, %arg3: memref<1000000x16xf32, #tpu.memory_space<hbm>>, %arg4: memref<16384xf32, #tpu.memory_space<hbm>>, %arg5: memref<8x128xi32, #tpu.memory_space<vmem>>, %arg6: memref<1024x16xf32, #tpu.memory_space<vmem>>, %arg7: memref<512xf32, #tpu.memory_space<vmem>>, %arg8: memref<!tpu.dma_semaphore, #tpu.memory_space<semaphore_mem>>) attributes {dimension_semantics = [#tpu.dimension_semantics<core_parallel>, #tpu.dimension_semantics<subcore_parallel>], iteration_bounds = array<i64: 2, 16>, scalar_prefetch = 0 : i64, scratch_operands = 4 : i64, tpu.core_type = #tpu.core_type<sc_vector_subcore>, window_params = [{transform_indices = #map}, {transform_indices = #map}, {transform_indices = #map1}]} {
    %mul3A = arith.constant 2 : i32
    %mul3A_0 = arith.muli %arg1, %mul3A : i32
    %add3A = arith.addi %mul3A_0, %arg0 : i32
    %mul3A_1 = arith.constant 8 : i32
    %mul3A_2 = arith.muli %add3A, %mul3A_1 : i32
    "tpu.region"() ({
      %run_scoped3A = tpu.sem_alloc : memref<!tpu.dma_semaphore, #tpu.memory_space<semaphore_mem>>
      %dma_start3A_168 = arith.constant 0 : i32
      %dma_start3A_169 = tpu.memref_slice %arg2[%mul3A_2, %dma_start3A_168] : memref<256x128xi32, #tpu.memory_space<hbm>> -> memref<8x128xi32, #tpu.memory_space<hbm>>
      %dma_start3A_170 = arith.constant 0 : i32
      %dma_start3A_171 = tpu.memref_slice %arg2[%mul3A_2, %dma_start3A_170] : memref<256x128xi32, #tpu.memory_space<hbm>> -> memref<8x128xi32, #tpu.memory_space<hbm>>
      tpu.enqueue_dma source(%dma_start3A_171 : memref<8x128xi32, #tpu.memory_space<hbm>>) target(%arg5 : memref<8x128xi32, #tpu.memory_space<vmem>>) target_semaphore(%run_scoped3A : memref<!tpu.dma_semaphore, #tpu.memory_space<semaphore_mem>>)
      %dma_wait3A_172 = arith.constant 0 : i32
      %dma_wait3A_173 = tpu.memref_slice %arg2[%mul3A_2, %dma_wait3A_172] : memref<256x128xi32, #tpu.memory_space<hbm>> -> memref<8x128xi32, #tpu.memory_space<hbm>>
      %dma_wait3A_174 = arith.constant 0 : i32
      %dma_wait3A_175 = tpu.memref_slice %arg2[%mul3A_2, %dma_wait3A_174] : memref<256x128xi32, #tpu.memory_space<hbm>> -> memref<8x128xi32, #tpu.memory_space<hbm>>
      tpu.wait_dma2 semaphore(%run_scoped3A : memref<!tpu.dma_semaphore, #tpu.memory_space<semaphore_mem>>) src(%dma_wait3A_175 : memref<8x128xi32, #tpu.memory_space<hbm>>) dst(%arg5 : memref<8x128xi32, #tpu.memory_space<vmem>>)
      tpu.yield
    }) : () -> ()
    %dma_start3A = arith.constant 0 : i32
    %dma_start3A_3 = arith.constant 0 : i32
    %dma_start3A_4 = arith.constant 0 : i32
    %dma_start3A_5 = tpu.memref_slice %arg6[%dma_start3A_3, %dma_start3A_4] : memref<1024x16xf32, #tpu.memory_space<vmem>> -> memref<128x16xf32, #tpu.memory_space<vmem>>
    %dma_start3A_6 = arith.constant 0 : i32
    %dma_start3A_7 = tpu.memref_slice %arg5[%dma_start3A, %dma_start3A_6] : memref<8x128xi32, #tpu.memory_space<vmem>> -> memref<1x128xi32, #tpu.memory_space<vmem>>
    %dma_start3A_8 = tpu.memref_squeeze %dma_start3A_7 : memref<1x128xi32, #tpu.memory_space<vmem>> -> memref<128xi32, #tpu.memory_space<vmem>>
    %dma_start3A_9 = arith.constant 0 : i32
    %dma_start3A_10 = arith.constant 0 : i32
    %dma_start3A_11 = tpu.memref_slice %arg3[%dma_start3A_9, %dma_start3A_10] : memref<1000000x16xf32, #tpu.memory_space<hbm>> -> memref<1000000x16xf32, #tpu.memory_space<hbm>>
    tpu.enqueue_indirect_dma source(%dma_start3A_11 : memref<1000000x16xf32, #tpu.memory_space<hbm>>) target(%dma_start3A_5 : memref<128x16xf32, #tpu.memory_space<vmem>>) offsets(%dma_start3A_8 : memref<128xi32, #tpu.memory_space<vmem>>) semaphore(%arg8 : memref<!tpu.dma_semaphore, #tpu.memory_space<semaphore_mem>>)
    %dma_start3A_12 = arith.constant 1 : i32
    %dma_start3A_13 = arith.constant 128 : i32
    %dma_start3A_14 = arith.constant 0 : i32
    %dma_start3A_15 = tpu.memref_slice %arg6[%dma_start3A_13, %dma_start3A_14] : memref<1024x16xf32, #tpu.memory_space<vmem>> -> memref<128x16xf32, #tpu.memory_space<vmem>>
    %dma_start3A_16 = arith.constant 0 : i32
    %dma_start3A_17 = tpu.memref_slice %arg5[%dma_start3A_12, %dma_start3A_16] : memref<8x128xi32, #tpu.memory_space<vmem>> -> memref<1x128xi32, #tpu.memory_space<vmem>>
    %dma_start3A_18 = tpu.memref_squeeze %dma_start3A_17 : memref<1x128xi32, #tpu.memory_space<vmem>> -> memref<128xi32, #tpu.memory_space<vmem>>
    %dma_start3A_19 = arith.constant 0 : i32
    %dma_start3A_20 = arith.constant 0 : i32
    %dma_start3A_21 = tpu.memref_slice %arg3[%dma_start3A_19, %dma_start3A_20] : memref<1000000x16xf32, #tpu.memory_space<hbm>> -> memref<1000000x16xf32, #tpu.memory_space<hbm>>
    tpu.enqueue_indirect_dma source(%dma_start3A_21 : memref<1000000x16xf32, #tpu.memory_space<hbm>>) target(%dma_start3A_15 : memref<128x16xf32, #tpu.memory_space<vmem>>) offsets(%dma_start3A_18 : memref<128xi32, #tpu.memory_space<vmem>>) semaphore(%arg8 : memref<!tpu.dma_semaphore, #tpu.memory_space<semaphore_mem>>)
    %dma_start3A_22 = arith.constant 2 : i32
    %dma_start3A_23 = arith.constant 256 : i32
    %dma_start3A_24 = arith.constant 0 : i32
    %dma_start3A_25 = tpu.memref_slice %arg6[%dma_start3A_23, %dma_start3A_24] : memref<1024x16xf32, #tpu.memory_space<vmem>> -> memref<128x16xf32, #tpu.memory_space<vmem>>
    %dma_start3A_26 = arith.constant 0 : i32
    %dma_start3A_27 = tpu.memref_slice %arg5[%dma_start3A_22, %dma_start3A_26] : memref<8x128xi32, #tpu.memory_space<vmem>> -> memref<1x128xi32, #tpu.memory_space<vmem>>
    %dma_start3A_28 = tpu.memref_squeeze %dma_start3A_27 : memref<1x128xi32, #tpu.memory_space<vmem>> -> memref<128xi32, #tpu.memory_space<vmem>>
    %dma_start3A_29 = arith.constant 0 : i32
    %dma_start3A_30 = arith.constant 0 : i32
    %dma_start3A_31 = tpu.memref_slice %arg3[%dma_start3A_29, %dma_start3A_30] : memref<1000000x16xf32, #tpu.memory_space<hbm>> -> memref<1000000x16xf32, #tpu.memory_space<hbm>>
    tpu.enqueue_indirect_dma source(%dma_start3A_31 : memref<1000000x16xf32, #tpu.memory_space<hbm>>) target(%dma_start3A_25 : memref<128x16xf32, #tpu.memory_space<vmem>>) offsets(%dma_start3A_28 : memref<128xi32, #tpu.memory_space<vmem>>) semaphore(%arg8 : memref<!tpu.dma_semaphore, #tpu.memory_space<semaphore_mem>>)
    %dma_start3A_32 = arith.constant 3 : i32
    %dma_start3A_33 = arith.constant 384 : i32
    %dma_start3A_34 = arith.constant 0 : i32
    %dma_start3A_35 = tpu.memref_slice %arg6[%dma_start3A_33, %dma_start3A_34] : memref<1024x16xf32, #tpu.memory_space<vmem>> -> memref<128x16xf32, #tpu.memory_space<vmem>>
    %dma_start3A_36 = arith.constant 0 : i32
    %dma_start3A_37 = tpu.memref_slice %arg5[%dma_start3A_32, %dma_start3A_36] : memref<8x128xi32, #tpu.memory_space<vmem>> -> memref<1x128xi32, #tpu.memory_space<vmem>>
    %dma_start3A_38 = tpu.memref_squeeze %dma_start3A_37 : memref<1x128xi32, #tpu.memory_space<vmem>> -> memref<128xi32, #tpu.memory_space<vmem>>
    %dma_start3A_39 = arith.constant 0 : i32
    %dma_start3A_40 = arith.constant 0 : i32
    %dma_start3A_41 = tpu.memref_slice %arg3[%dma_start3A_39, %dma_start3A_40] : memref<1000000x16xf32, #tpu.memory_space<hbm>> -> memref<1000000x16xf32, #tpu.memory_space<hbm>>
    tpu.enqueue_indirect_dma source(%dma_start3A_41 : memref<1000000x16xf32, #tpu.memory_space<hbm>>) target(%dma_start3A_35 : memref<128x16xf32, #tpu.memory_space<vmem>>) offsets(%dma_start3A_38 : memref<128xi32, #tpu.memory_space<vmem>>) semaphore(%arg8 : memref<!tpu.dma_semaphore, #tpu.memory_space<semaphore_mem>>)
    %dma_start3A_42 = arith.constant 4 : i32
    %dma_start3A_43 = arith.constant 512 : i32
    %dma_start3A_44 = arith.constant 0 : i32
    %dma_start3A_45 = tpu.memref_slice %arg6[%dma_start3A_43, %dma_start3A_44] : memref<1024x16xf32, #tpu.memory_space<vmem>> -> memref<128x16xf32, #tpu.memory_space<vmem>>
    %dma_start3A_46 = arith.constant 0 : i32
    %dma_start3A_47 = tpu.memref_slice %arg5[%dma_start3A_42, %dma_start3A_46] : memref<8x128xi32, #tpu.memory_space<vmem>> -> memref<1x128xi32, #tpu.memory_space<vmem>>
    %dma_start3A_48 = tpu.memref_squeeze %dma_start3A_47 : memref<1x128xi32, #tpu.memory_space<vmem>> -> memref<128xi32, #tpu.memory_space<vmem>>
    %dma_start3A_49 = arith.constant 0 : i32
    %dma_start3A_50 = arith.constant 0 : i32
    %dma_start3A_51 = tpu.memref_slice %arg3[%dma_start3A_49, %dma_start3A_50] : memref<1000000x16xf32, #tpu.memory_space<hbm>> -> memref<1000000x16xf32, #tpu.memory_space<hbm>>
    tpu.enqueue_indirect_dma source(%dma_start3A_51 : memref<1000000x16xf32, #tpu.memory_space<hbm>>) target(%dma_start3A_45 : memref<128x16xf32, #tpu.memory_space<vmem>>) offsets(%dma_start3A_48 : memref<128xi32, #tpu.memory_space<vmem>>) semaphore(%arg8 : memref<!tpu.dma_semaphore, #tpu.memory_space<semaphore_mem>>)
    %dma_start3A_52 = arith.constant 5 : i32
    %dma_start3A_53 = arith.constant 640 : i32
    %dma_start3A_54 = arith.constant 0 : i32
    %dma_start3A_55 = tpu.memref_slice %arg6[%dma_start3A_53, %dma_start3A_54] : memref<1024x16xf32, #tpu.memory_space<vmem>> -> memref<128x16xf32, #tpu.memory_space<vmem>>
    %dma_start3A_56 = arith.constant 0 : i32
    %dma_start3A_57 = tpu.memref_slice %arg5[%dma_start3A_52, %dma_start3A_56] : memref<8x128xi32, #tpu.memory_space<vmem>> -> memref<1x128xi32, #tpu.memory_space<vmem>>
    %dma_start3A_58 = tpu.memref_squeeze %dma_start3A_57 : memref<1x128xi32, #tpu.memory_space<vmem>> -> memref<128xi32, #tpu.memory_space<vmem>>
    %dma_start3A_59 = arith.constant 0 : i32
    %dma_start3A_60 = arith.constant 0 : i32
    %dma_start3A_61 = tpu.memref_slice %arg3[%dma_start3A_59, %dma_start3A_60] : memref<1000000x16xf32, #tpu.memory_space<hbm>> -> memref<1000000x16xf32, #tpu.memory_space<hbm>>
    tpu.enqueue_indirect_dma source(%dma_start3A_61 : memref<1000000x16xf32, #tpu.memory_space<hbm>>) target(%dma_start3A_55 : memref<128x16xf32, #tpu.memory_space<vmem>>) offsets(%dma_start3A_58 : memref<128xi32, #tpu.memory_space<vmem>>) semaphore(%arg8 : memref<!tpu.dma_semaphore, #tpu.memory_space<semaphore_mem>>)
    %dma_start3A_62 = arith.constant 6 : i32
    %dma_start3A_63 = arith.constant 768 : i32
    %dma_start3A_64 = arith.constant 0 : i32
    %dma_start3A_65 = tpu.memref_slice %arg6[%dma_start3A_63, %dma_start3A_64] : memref<1024x16xf32, #tpu.memory_space<vmem>> -> memref<128x16xf32, #tpu.memory_space<vmem>>
    %dma_start3A_66 = arith.constant 0 : i32
    %dma_start3A_67 = tpu.memref_slice %arg5[%dma_start3A_62, %dma_start3A_66] : memref<8x128xi32, #tpu.memory_space<vmem>> -> memref<1x128xi32, #tpu.memory_space<vmem>>
    %dma_start3A_68 = tpu.memref_squeeze %dma_start3A_67 : memref<1x128xi32, #tpu.memory_space<vmem>> -> memref<128xi32, #tpu.memory_space<vmem>>
    %dma_start3A_69 = arith.constant 0 : i32
    %dma_start3A_70 = arith.constant 0 : i32
    %dma_start3A_71 = tpu.memref_slice %arg3[%dma_start3A_69, %dma_start3A_70] : memref<1000000x16xf32, #tpu.memory_space<hbm>> -> memref<1000000x16xf32, #tpu.memory_space<hbm>>
    tpu.enqueue_indirect_dma source(%dma_start3A_71 : memref<1000000x16xf32, #tpu.memory_space<hbm>>) target(%dma_start3A_65 : memref<128x16xf32, #tpu.memory_space<vmem>>) offsets(%dma_start3A_68 : memref<128xi32, #tpu.memory_space<vmem>>) semaphore(%arg8 : memref<!tpu.dma_semaphore, #tpu.memory_space<semaphore_mem>>)
    %dma_start3A_72 = arith.constant 7 : i32
    %dma_start3A_73 = arith.constant 896 : i32
    %dma_start3A_74 = arith.constant 0 : i32
    %dma_start3A_75 = tpu.memref_slice %arg6[%dma_start3A_73, %dma_start3A_74] : memref<1024x16xf32, #tpu.memory_space<vmem>> -> memref<128x16xf32, #tpu.memory_space<vmem>>
    %dma_start3A_76 = arith.constant 0 : i32
    %dma_start3A_77 = tpu.memref_slice %arg5[%dma_start3A_72, %dma_start3A_76] : memref<8x128xi32, #tpu.memory_space<vmem>> -> memref<1x128xi32, #tpu.memory_space<vmem>>
    %dma_start3A_78 = tpu.memref_squeeze %dma_start3A_77 : memref<1x128xi32, #tpu.memory_space<vmem>> -> memref<128xi32, #tpu.memory_space<vmem>>
    %dma_start3A_79 = arith.constant 0 : i32
    %dma_start3A_80 = arith.constant 0 : i32
    %dma_start3A_81 = tpu.memref_slice %arg3[%dma_start3A_79, %dma_start3A_80] : memref<1000000x16xf32, #tpu.memory_space<hbm>> -> memref<1000000x16xf32, #tpu.memory_space<hbm>>
    tpu.enqueue_indirect_dma source(%dma_start3A_81 : memref<1000000x16xf32, #tpu.memory_space<hbm>>) target(%dma_start3A_75 : memref<128x16xf32, #tpu.memory_space<vmem>>) offsets(%dma_start3A_78 : memref<128xi32, #tpu.memory_space<vmem>>) semaphore(%arg8 : memref<!tpu.dma_semaphore, #tpu.memory_space<semaphore_mem>>)
    %dma_wait3A = arith.constant 0 : i32
    %dma_wait3A_82 = arith.constant 0 : i32
    %dma_wait3A_83 = arith.constant 0 : i32
    %dma_wait3A_84 = tpu.memref_slice %arg6[%dma_wait3A_82, %dma_wait3A_83] : memref<1024x16xf32, #tpu.memory_space<vmem>> -> memref<128x16xf32, #tpu.memory_space<vmem>>
    %dma_wait3A_85 = arith.constant 0 : i32
    %dma_wait3A_86 = tpu.memref_slice %arg5[%dma_wait3A, %dma_wait3A_85] : memref<8x128xi32, #tpu.memory_space<vmem>> -> memref<1x128xi32, #tpu.memory_space<vmem>>
    %dma_wait3A_87 = tpu.memref_squeeze %dma_wait3A_86 : memref<1x128xi32, #tpu.memory_space<vmem>> -> memref<128xi32, #tpu.memory_space<vmem>>
    %dma_wait3A_88 = arith.constant 0 : i32
    %dma_wait3A_89 = arith.constant 0 : i32
    %dma_wait3A_90 = tpu.memref_slice %arg3[%dma_wait3A_88, %dma_wait3A_89] : memref<1000000x16xf32, #tpu.memory_space<hbm>> -> memref<1000000x16xf32, #tpu.memory_space<hbm>>
    tpu.wait_indirect_dma semaphore(%arg8 : memref<!tpu.dma_semaphore, #tpu.memory_space<semaphore_mem>>) src(%dma_wait3A_90 : memref<1000000x16xf32, #tpu.memory_space<hbm>>) dst(%dma_wait3A_84 : memref<128x16xf32, #tpu.memory_space<vmem>>)
    %dma_wait3A_91 = arith.constant 1 : i32
    %dma_wait3A_92 = arith.constant 128 : i32
    %dma_wait3A_93 = arith.constant 0 : i32
    %dma_wait3A_94 = tpu.memref_slice %arg6[%dma_wait3A_92, %dma_wait3A_93] : memref<1024x16xf32, #tpu.memory_space<vmem>> -> memref<128x16xf32, #tpu.memory_space<vmem>>
    %dma_wait3A_95 = arith.constant 0 : i32
    %dma_wait3A_96 = tpu.memref_slice %arg5[%dma_wait3A_91, %dma_wait3A_95] : memref<8x128xi32, #tpu.memory_space<vmem>> -> memref<1x128xi32, #tpu.memory_space<vmem>>
    %dma_wait3A_97 = tpu.memref_squeeze %dma_wait3A_96 : memref<1x128xi32, #tpu.memory_space<vmem>> -> memref<128xi32, #tpu.memory_space<vmem>>
    %dma_wait3A_98 = arith.constant 0 : i32
    %dma_wait3A_99 = arith.constant 0 : i32
    %dma_wait3A_100 = tpu.memref_slice %arg3[%dma_wait3A_98, %dma_wait3A_99] : memref<1000000x16xf32, #tpu.memory_space<hbm>> -> memref<1000000x16xf32, #tpu.memory_space<hbm>>
    tpu.wait_indirect_dma semaphore(%arg8 : memref<!tpu.dma_semaphore, #tpu.memory_space<semaphore_mem>>) src(%dma_wait3A_100 : memref<1000000x16xf32, #tpu.memory_space<hbm>>) dst(%dma_wait3A_94 : memref<128x16xf32, #tpu.memory_space<vmem>>)
    %dma_wait3A_101 = arith.constant 2 : i32
    %dma_wait3A_102 = arith.constant 256 : i32
    %dma_wait3A_103 = arith.constant 0 : i32
    %dma_wait3A_104 = tpu.memref_slice %arg6[%dma_wait3A_102, %dma_wait3A_103] : memref<1024x16xf32, #tpu.memory_space<vmem>> -> memref<128x16xf32, #tpu.memory_space<vmem>>
    %dma_wait3A_105 = arith.constant 0 : i32
    %dma_wait3A_106 = tpu.memref_slice %arg5[%dma_wait3A_101, %dma_wait3A_105] : memref<8x128xi32, #tpu.memory_space<vmem>> -> memref<1x128xi32, #tpu.memory_space<vmem>>
    %dma_wait3A_107 = tpu.memref_squeeze %dma_wait3A_106 : memref<1x128xi32, #tpu.memory_space<vmem>> -> memref<128xi32, #tpu.memory_space<vmem>>
    %dma_wait3A_108 = arith.constant 0 : i32
    %dma_wait3A_109 = arith.constant 0 : i32
    %dma_wait3A_110 = tpu.memref_slice %arg3[%dma_wait3A_108, %dma_wait3A_109] : memref<1000000x16xf32, #tpu.memory_space<hbm>> -> memref<1000000x16xf32, #tpu.memory_space<hbm>>
    tpu.wait_indirect_dma semaphore(%arg8 : memref<!tpu.dma_semaphore, #tpu.memory_space<semaphore_mem>>) src(%dma_wait3A_110 : memref<1000000x16xf32, #tpu.memory_space<hbm>>) dst(%dma_wait3A_104 : memref<128x16xf32, #tpu.memory_space<vmem>>)
    %dma_wait3A_111 = arith.constant 3 : i32
    %dma_wait3A_112 = arith.constant 384 : i32
    %dma_wait3A_113 = arith.constant 0 : i32
    %dma_wait3A_114 = tpu.memref_slice %arg6[%dma_wait3A_112, %dma_wait3A_113] : memref<1024x16xf32, #tpu.memory_space<vmem>> -> memref<128x16xf32, #tpu.memory_space<vmem>>
    %dma_wait3A_115 = arith.constant 0 : i32
    %dma_wait3A_116 = tpu.memref_slice %arg5[%dma_wait3A_111, %dma_wait3A_115] : memref<8x128xi32, #tpu.memory_space<vmem>> -> memref<1x128xi32, #tpu.memory_space<vmem>>
    %dma_wait3A_117 = tpu.memref_squeeze %dma_wait3A_116 : memref<1x128xi32, #tpu.memory_space<vmem>> -> memref<128xi32, #tpu.memory_space<vmem>>
    %dma_wait3A_118 = arith.constant 0 : i32
    %dma_wait3A_119 = arith.constant 0 : i32
    %dma_wait3A_120 = tpu.memref_slice %arg3[%dma_wait3A_118, %dma_wait3A_119] : memref<1000000x16xf32, #tpu.memory_space<hbm>> -> memref<1000000x16xf32, #tpu.memory_space<hbm>>
    tpu.wait_indirect_dma semaphore(%arg8 : memref<!tpu.dma_semaphore, #tpu.memory_space<semaphore_mem>>) src(%dma_wait3A_120 : memref<1000000x16xf32, #tpu.memory_space<hbm>>) dst(%dma_wait3A_114 : memref<128x16xf32, #tpu.memory_space<vmem>>)
    %dma_wait3A_121 = arith.constant 4 : i32
    %dma_wait3A_122 = arith.constant 512 : i32
    %dma_wait3A_123 = arith.constant 0 : i32
    %dma_wait3A_124 = tpu.memref_slice %arg6[%dma_wait3A_122, %dma_wait3A_123] : memref<1024x16xf32, #tpu.memory_space<vmem>> -> memref<128x16xf32, #tpu.memory_space<vmem>>
    %dma_wait3A_125 = arith.constant 0 : i32
    %dma_wait3A_126 = tpu.memref_slice %arg5[%dma_wait3A_121, %dma_wait3A_125] : memref<8x128xi32, #tpu.memory_space<vmem>> -> memref<1x128xi32, #tpu.memory_space<vmem>>
    %dma_wait3A_127 = tpu.memref_squeeze %dma_wait3A_126 : memref<1x128xi32, #tpu.memory_space<vmem>> -> memref<128xi32, #tpu.memory_space<vmem>>
    %dma_wait3A_128 = arith.constant 0 : i32
    %dma_wait3A_129 = arith.constant 0 : i32
    %dma_wait3A_130 = tpu.memref_slice %arg3[%dma_wait3A_128, %dma_wait3A_129] : memref<1000000x16xf32, #tpu.memory_space<hbm>> -> memref<1000000x16xf32, #tpu.memory_space<hbm>>
    tpu.wait_indirect_dma semaphore(%arg8 : memref<!tpu.dma_semaphore, #tpu.memory_space<semaphore_mem>>) src(%dma_wait3A_130 : memref<1000000x16xf32, #tpu.memory_space<hbm>>) dst(%dma_wait3A_124 : memref<128x16xf32, #tpu.memory_space<vmem>>)
    %dma_wait3A_131 = arith.constant 5 : i32
    %dma_wait3A_132 = arith.constant 640 : i32
    %dma_wait3A_133 = arith.constant 0 : i32
    %dma_wait3A_134 = tpu.memref_slice %arg6[%dma_wait3A_132, %dma_wait3A_133] : memref<1024x16xf32, #tpu.memory_space<vmem>> -> memref<128x16xf32, #tpu.memory_space<vmem>>
    %dma_wait3A_135 = arith.constant 0 : i32
    %dma_wait3A_136 = tpu.memref_slice %arg5[%dma_wait3A_131, %dma_wait3A_135] : memref<8x128xi32, #tpu.memory_space<vmem>> -> memref<1x128xi32, #tpu.memory_space<vmem>>
    %dma_wait3A_137 = tpu.memref_squeeze %dma_wait3A_136 : memref<1x128xi32, #tpu.memory_space<vmem>> -> memref<128xi32, #tpu.memory_space<vmem>>
    %dma_wait3A_138 = arith.constant 0 : i32
    %dma_wait3A_139 = arith.constant 0 : i32
    %dma_wait3A_140 = tpu.memref_slice %arg3[%dma_wait3A_138, %dma_wait3A_139] : memref<1000000x16xf32, #tpu.memory_space<hbm>> -> memref<1000000x16xf32, #tpu.memory_space<hbm>>
    tpu.wait_indirect_dma semaphore(%arg8 : memref<!tpu.dma_semaphore, #tpu.memory_space<semaphore_mem>>) src(%dma_wait3A_140 : memref<1000000x16xf32, #tpu.memory_space<hbm>>) dst(%dma_wait3A_134 : memref<128x16xf32, #tpu.memory_space<vmem>>)
    %dma_wait3A_141 = arith.constant 6 : i32
    %dma_wait3A_142 = arith.constant 768 : i32
    %dma_wait3A_143 = arith.constant 0 : i32
    %dma_wait3A_144 = tpu.memref_slice %arg6[%dma_wait3A_142, %dma_wait3A_143] : memref<1024x16xf32, #tpu.memory_space<vmem>> -> memref<128x16xf32, #tpu.memory_space<vmem>>
    %dma_wait3A_145 = arith.constant 0 : i32
    %dma_wait3A_146 = tpu.memref_slice %arg5[%dma_wait3A_141, %dma_wait3A_145] : memref<8x128xi32, #tpu.memory_space<vmem>> -> memref<1x128xi32, #tpu.memory_space<vmem>>
    %dma_wait3A_147 = tpu.memref_squeeze %dma_wait3A_146 : memref<1x128xi32, #tpu.memory_space<vmem>> -> memref<128xi32, #tpu.memory_space<vmem>>
    %dma_wait3A_148 = arith.constant 0 : i32
    %dma_wait3A_149 = arith.constant 0 : i32
    %dma_wait3A_150 = tpu.memref_slice %arg3[%dma_wait3A_148, %dma_wait3A_149] : memref<1000000x16xf32, #tpu.memory_space<hbm>> -> memref<1000000x16xf32, #tpu.memory_space<hbm>>
    tpu.wait_indirect_dma semaphore(%arg8 : memref<!tpu.dma_semaphore, #tpu.memory_space<semaphore_mem>>) src(%dma_wait3A_150 : memref<1000000x16xf32, #tpu.memory_space<hbm>>) dst(%dma_wait3A_144 : memref<128x16xf32, #tpu.memory_space<vmem>>)
    %dma_wait3A_151 = arith.constant 7 : i32
    %dma_wait3A_152 = arith.constant 896 : i32
    %dma_wait3A_153 = arith.constant 0 : i32
    %dma_wait3A_154 = tpu.memref_slice %arg6[%dma_wait3A_152, %dma_wait3A_153] : memref<1024x16xf32, #tpu.memory_space<vmem>> -> memref<128x16xf32, #tpu.memory_space<vmem>>
    %dma_wait3A_155 = arith.constant 0 : i32
    %dma_wait3A_156 = tpu.memref_slice %arg5[%dma_wait3A_151, %dma_wait3A_155] : memref<8x128xi32, #tpu.memory_space<vmem>> -> memref<1x128xi32, #tpu.memory_space<vmem>>
    %dma_wait3A_157 = tpu.memref_squeeze %dma_wait3A_156 : memref<1x128xi32, #tpu.memory_space<vmem>> -> memref<128xi32, #tpu.memory_space<vmem>>
    %dma_wait3A_158 = arith.constant 0 : i32
    %dma_wait3A_159 = arith.constant 0 : i32
    %dma_wait3A_160 = tpu.memref_slice %arg3[%dma_wait3A_158, %dma_wait3A_159] : memref<1000000x16xf32, #tpu.memory_space<hbm>> -> memref<1000000x16xf32, #tpu.memory_space<hbm>>
    tpu.wait_indirect_dma semaphore(%arg8 : memref<!tpu.dma_semaphore, #tpu.memory_space<semaphore_mem>>) src(%dma_wait3A_160 : memref<1000000x16xf32, #tpu.memory_space<hbm>>) dst(%dma_wait3A_154 : memref<128x16xf32, #tpu.memory_space<vmem>>)
    %iota3A = tpu.iota {dimensions = array<i32: 0>} : vector<16xi32>
    %scan3A = arith.constant 0 : i32
    %scan3A_161 = arith.constant 0 : i32
    %scan3A_162 = arith.constant 32 : i32
    %scan3A_163 = arith.addi %scan3A_161, %scan3A_162 : i32
    %scan3A_164 = arith.constant 1 : i32
    scf.for %scan3A_168 = %scan3A_161 to %scan3A_163 step %scan3A_164  : i32 {
      %mul3A_169 = arith.constant 32 : i32
      %mul3A_170 = arith.muli %scan3A_168, %mul3A_169 : i32
      %broadcast_in_dim3A = arith.constant 0.000000e+00 : f32
      %broadcast_in_dim3A_171 = vector.broadcast %broadcast_in_dim3A : f32 to vector<16xf32>
      %broadcast_in_dim3A_172 = arith.constant 0.000000e+00 : f32
      %broadcast_in_dim3A_173 = vector.broadcast %broadcast_in_dim3A_172 : f32 to vector<16xf32>
      %broadcast_in_dim3A_174 = arith.constant 0.000000e+00 : f32
      %broadcast_in_dim3A_175 = vector.broadcast %broadcast_in_dim3A_174 : f32 to vector<16xf32>
      %add3A_176 = arith.constant 0 : i32
      %add3A_177 = arith.addi %mul3A_170, %add3A_176 : i32
      %get3A = arith.index_cast %add3A_177 : i32 to index
      %get3A_178 = arith.constant 0 : index
      %get3A_179 = tpu.vector_load %arg6[%get3A, %get3A_178] {strides = array<i32>} : memref<1024x16xf32, #tpu.memory_space<vmem>>, vector<16xf32>,
      %add3A_180 = arith.constant 0 : i32
      %add3A_181 = arith.addi %mul3A_170, %add3A_180 : i32
      %add3A_182 = arith.constant 1 : i32
      %add3A_183 = arith.addi %add3A_181, %add3A_182 : i32
      %get3A_184 = arith.index_cast %add3A_183 : i32 to index
      %get3A_185 = arith.constant 0 : index
      %get3A_186 = tpu.vector_load %arg6[%get3A_184, %get3A_185] {strides = array<i32>} : memref<1024x16xf32, #tpu.memory_space<vmem>>, vector<16xf32>,
      %eq3A = arith.constant 0 : i32
      %eq3A_187 = vector.broadcast %eq3A : i32 to vector<16xi32>
      %eq3A_188 = arith.cmpi eq, %iota3A, %eq3A_187 : vector<16xi32>
      %mul3A_189 = arith.mulf %get3A_179, %get3A_179 : vector<16xf32>
      %reduce_sum3A = arith.constant true
      %reduce_sum3A_190 = vector.broadcast %reduce_sum3A : i1 to vector<16xi1>
      %reduce_sum3A_191 = tpu.scan <sum>, %mul3A_189 masked %reduce_sum3A_190 : vector<16xf32>, vector<16xi1> -> vector<16xf32>
      %reduce_sum3A_192 = vector.extract %reduce_sum3A_191[15] : f32 from vector<16xf32>
      %broadcast_in_dim3A_193 = vector.broadcast %reduce_sum3A_192 : f32 to vector<16xf32>
      %select_n3A = arith.select %eq3A_188, %broadcast_in_dim3A_193, %broadcast_in_dim3A_171 : vector<16xi1>, vector<16xf32>
      %mul3A_194 = arith.mulf %get3A_186, %get3A_186 : vector<16xf32>
      %reduce_sum3A_195 = arith.constant true
      %reduce_sum3A_196 = vector.broadcast %reduce_sum3A_195 : i1 to vector<16xi1>
      %reduce_sum3A_197 = tpu.scan <sum>, %mul3A_194 masked %reduce_sum3A_196 : vector<16xf32>, vector<16xi1> -> vector<16xf32>
      %reduce_sum3A_198 = vector.extract %reduce_sum3A_197[15] : f32 from vector<16xf32>
      %broadcast_in_dim3A_199 = vector.broadcast %reduce_sum3A_198 : f32 to vector<16xf32>
      %select_n3A_200 = arith.select %eq3A_188, %broadcast_in_dim3A_199, %broadcast_in_dim3A_173 : vector<16xi1>, vector<16xf32>
      %mul3A_201 = arith.mulf %get3A_179, %get3A_186 : vector<16xf32>
      %reduce_sum3A_202 = arith.constant true
      %reduce_sum3A_203 = vector.broadcast %reduce_sum3A_202 : i1 to vector<16xi1>
      %reduce_sum3A_204 = tpu.scan <sum>, %mul3A_201 masked %reduce_sum3A_203 : vector<16xf32>, vector<16xi1> -> vector<16xf32>
      %reduce_sum3A_205 = vector.extract %reduce_sum3A_204[15] : f32 from vector<16xf32>
      %broadcast_in_dim3A_206 = vector.broadcast %reduce_sum3A_205 : f32 to vector<16xf32>
      %select_n3A_207 = arith.select %eq3A_188, %broadcast_in_dim3A_206, %broadcast_in_dim3A_175 : vector<16xi1>, vector<16xf32>
      %add3A_208 = arith.constant 2 : i32
      %add3A_209 = arith.addi %mul3A_170, %add3A_208 : i32
      %get3A_210 = arith.index_cast %add3A_209 : i32 to index
      %get3A_211 = arith.constant 0 : index
      %get3A_212 = tpu.vector_load %arg6[%get3A_210, %get3A_211] {strides = array<i32>} : memref<1024x16xf32, #tpu.memory_space<vmem>>, vector<16xf32>,
      %add3A_213 = arith.constant 2 : i32
      %add3A_214 = arith.addi %mul3A_170, %add3A_213 : i32
      %add3A_215 = arith.constant 1 : i32
      %add3A_216 = arith.addi %add3A_214, %add3A_215 : i32
      %get3A_217 = arith.index_cast %add3A_216 : i32 to index
      %get3A_218 = arith.constant 0 : index
      %get3A_219 = tpu.vector_load %arg6[%get3A_217, %get3A_218] {strides = array<i32>} : memref<1024x16xf32, #tpu.memory_space<vmem>>, vector<16xf32>,
      %eq3A_220 = arith.constant 1 : i32
      %eq3A_221 = vector.broadcast %eq3A_220 : i32 to vector<16xi32>
      %eq3A_222 = arith.cmpi eq, %iota3A, %eq3A_221 : vector<16xi32>
      %mul3A_223 = arith.mulf %get3A_212, %get3A_212 : vector<16xf32>
      %reduce_sum3A_224 = arith.constant true
      %reduce_sum3A_225 = vector.broadcast %reduce_sum3A_224 : i1 to vector<16xi1>
      %reduce_sum3A_226 = tpu.scan <sum>, %mul3A_223 masked %reduce_sum3A_225 : vector<16xf32>, vector<16xi1> -> vector<16xf32>
      %reduce_sum3A_227 = vector.extract %reduce_sum3A_226[15] : f32 from vector<16xf32>
      %broadcast_in_dim3A_228 = vector.broadcast %reduce_sum3A_227 : f32 to vector<16xf32>
      %select_n3A_229 = arith.select %eq3A_222, %broadcast_in_dim3A_228, %select_n3A : vector<16xi1>, vector<16xf32>
      %mul3A_230 = arith.mulf %get3A_219, %get3A_219 : vector<16xf32>
      %reduce_sum3A_231 = arith.constant true
      %reduce_sum3A_232 = vector.broadcast %reduce_sum3A_231 : i1 to vector<16xi1>
      %reduce_sum3A_233 = tpu.scan <sum>, %mul3A_230 masked %reduce_sum3A_232 : vector<16xf32>, vector<16xi1> -> vector<16xf32>
      %reduce_sum3A_234 = vector.extract %reduce_sum3A_233[15] : f32 from vector<16xf32>
      %broadcast_in_dim3A_235 = vector.broadcast %reduce_sum3A_234 : f32 to vector<16xf32>
      %select_n3A_236 = arith.select %eq3A_222, %broadcast_in_dim3A_235, %select_n3A_200 : vector<16xi1>, vector<16xf32>
      %mul3A_237 = arith.mulf %get3A_212, %get3A_219 : vector<16xf32>
      %reduce_sum3A_238 = arith.constant true
      %reduce_sum3A_239 = vector.broadcast %reduce_sum3A_238 : i1 to vector<16xi1>
      %reduce_sum3A_240 = tpu.scan <sum>, %mul3A_237 masked %reduce_sum3A_239 : vector<16xf32>, vector<16xi1> -> vector<16xf32>
      %reduce_sum3A_241 = vector.extract %reduce_sum3A_240[15] : f32 from vector<16xf32>
      %broadcast_in_dim3A_242 = vector.broadcast %reduce_sum3A_241 : f32 to vector<16xf32>
      %select_n3A_243 = arith.select %eq3A_222, %broadcast_in_dim3A_242, %select_n3A_207 : vector<16xi1>, vector<16xf32>
      %add3A_244 = arith.constant 4 : i32
      %add3A_245 = arith.addi %mul3A_170, %add3A_244 : i32
      %get3A_246 = arith.index_cast %add3A_245 : i32 to index
      %get3A_247 = arith.constant 0 : index
      %get3A_248 = tpu.vector_load %arg6[%get3A_246, %get3A_247] {strides = array<i32>} : memref<1024x16xf32, #tpu.memory_space<vmem>>, vector<16xf32>,
      %add3A_249 = arith.constant 4 : i32
      %add3A_250 = arith.addi %mul3A_170, %add3A_249 : i32
      %add3A_251 = arith.constant 1 : i32
      %add3A_252 = arith.addi %add3A_250, %add3A_251 : i32
      %get3A_253 = arith.index_cast %add3A_252 : i32 to index
      %get3A_254 = arith.constant 0 : index
      %get3A_255 = tpu.vector_load %arg6[%get3A_253, %get3A_254] {strides = array<i32>} : memref<1024x16xf32, #tpu.memory_space<vmem>>, vector<16xf32>,
      %eq3A_256 = arith.constant 2 : i32
      %eq3A_257 = vector.broadcast %eq3A_256 : i32 to vector<16xi32>
      %eq3A_258 = arith.cmpi eq, %iota3A, %eq3A_257 : vector<16xi32>
      %mul3A_259 = arith.mulf %get3A_248, %get3A_248 : vector<16xf32>
      %reduce_sum3A_260 = arith.constant true
      %reduce_sum3A_261 = vector.broadcast %reduce_sum3A_260 : i1 to vector<16xi1>
      %reduce_sum3A_262 = tpu.scan <sum>, %mul3A_259 masked %reduce_sum3A_261 : vector<16xf32>, vector<16xi1> -> vector<16xf32>
      %reduce_sum3A_263 = vector.extract %reduce_sum3A_262[15] : f32 from vector<16xf32>
      %broadcast_in_dim3A_264 = vector.broadcast %reduce_sum3A_263 : f32 to vector<16xf32>
      %select_n3A_265 = arith.select %eq3A_258, %broadcast_in_dim3A_264, %select_n3A_229 : vector<16xi1>, vector<16xf32>
      %mul3A_266 = arith.mulf %get3A_255, %get3A_255 : vector<16xf32>
      %reduce_sum3A_267 = arith.constant true
      %reduce_sum3A_268 = vector.broadcast %reduce_sum3A_267 : i1 to vector<16xi1>
      %reduce_sum3A_269 = tpu.scan <sum>, %mul3A_266 masked %reduce_sum3A_268 : vector<16xf32>, vector<16xi1> -> vector<16xf32>
      %reduce_sum3A_270 = vector.extract %reduce_sum3A_269[15] : f32 from vector<16xf32>
      %broadcast_in_dim3A_271 = vector.broadcast %reduce_sum3A_270 : f32 to vector<16xf32>
      %select_n3A_272 = arith.select %eq3A_258, %broadcast_in_dim3A_271, %select_n3A_236 : vector<16xi1>, vector<16xf32>
      %mul3A_273 = arith.mulf %get3A_248, %get3A_255 : vector<16xf32>
      %reduce_sum3A_274 = arith.constant true
      %reduce_sum3A_275 = vector.broadcast %reduce_sum3A_274 : i1 to vector<16xi1>
      %reduce_sum3A_276 = tpu.scan <sum>, %mul3A_273 masked %reduce_sum3A_275 : vector<16xf32>, vector<16xi1> -> vector<16xf32>
      %reduce_sum3A_277 = vector.extract %reduce_sum3A_276[15] : f32 from vector<16xf32>
      %broadcast_in_dim3A_278 = vector.broadcast %reduce_sum3A_277 : f32 to vector<16xf32>
      %select_n3A_279 = arith.select %eq3A_258, %broadcast_in_dim3A_278, %select_n3A_243 : vector<16xi1>, vector<16xf32>
      %add3A_280 = arith.constant 6 : i32
      %add3A_281 = arith.addi %mul3A_170, %add3A_280 : i32
      %get3A_282 = arith.index_cast %add3A_281 : i32 to index
      %get3A_283 = arith.constant 0 : index
      %get3A_284 = tpu.vector_load %arg6[%get3A_282, %get3A_283] {strides = array<i32>} : memref<1024x16xf32, #tpu.memory_space<vmem>>, vector<16xf32>,
      %add3A_285 = arith.constant 6 : i32
      %add3A_286 = arith.addi %mul3A_170, %add3A_285 : i32
      %add3A_287 = arith.constant 1 : i32
      %add3A_288 = arith.addi %add3A_286, %add3A_287 : i32
      %get3A_289 = arith.index_cast %add3A_288 : i32 to index
      %get3A_290 = arith.constant 0 : index
      %get3A_291 = tpu.vector_load %arg6[%get3A_289, %get3A_290] {strides = array<i32>} : memref<1024x16xf32, #tpu.memory_space<vmem>>, vector<16xf32>,
      %eq3A_292 = arith.constant 3 : i32
      %eq3A_293 = vector.broadcast %eq3A_292 : i32 to vector<16xi32>
      %eq3A_294 = arith.cmpi eq, %iota3A, %eq3A_293 : vector<16xi32>
      %mul3A_295 = arith.mulf %get3A_284, %get3A_284 : vector<16xf32>
      %reduce_sum3A_296 = arith.constant true
      %reduce_sum3A_297 = vector.broadcast %reduce_sum3A_296 : i1 to vector<16xi1>
      %reduce_sum3A_298 = tpu.scan <sum>, %mul3A_295 masked %reduce_sum3A_297 : vector<16xf32>, vector<16xi1> -> vector<16xf32>
      %reduce_sum3A_299 = vector.extract %reduce_sum3A_298[15] : f32 from vector<16xf32>
      %broadcast_in_dim3A_300 = vector.broadcast %reduce_sum3A_299 : f32 to vector<16xf32>
      %select_n3A_301 = arith.select %eq3A_294, %broadcast_in_dim3A_300, %select_n3A_265 : vector<16xi1>, vector<16xf32>
      %mul3A_302 = arith.mulf %get3A_291, %get3A_291 : vector<16xf32>
      %reduce_sum3A_303 = arith.constant true
      %reduce_sum3A_304 = vector.broadcast %reduce_sum3A_303 : i1 to vector<16xi1>
      %reduce_sum3A_305 = tpu.scan <sum>, %mul3A_302 masked %reduce_sum3A_304 : vector<16xf32>, vector<16xi1> -> vector<16xf32>
      %reduce_sum3A_306 = vector.extract %reduce_sum3A_305[15] : f32 from vector<16xf32>
      %broadcast_in_dim3A_307 = vector.broadcast %reduce_sum3A_306 : f32 to vector<16xf32>
      %select_n3A_308 = arith.select %eq3A_294, %broadcast_in_dim3A_307, %select_n3A_272 : vector<16xi1>, vector<16xf32>
      %mul3A_309 = arith.mulf %get3A_284, %get3A_291 : vector<16xf32>
      %reduce_sum3A_310 = arith.constant true
      %reduce_sum3A_311 = vector.broadcast %reduce_sum3A_310 : i1 to vector<16xi1>
      %reduce_sum3A_312 = tpu.scan <sum>, %mul3A_309 masked %reduce_sum3A_311 : vector<16xf32>, vector<16xi1> -> vector<16xf32>
      %reduce_sum3A_313 = vector.extract %reduce_sum3A_312[15] : f32 from vector<16xf32>
      %broadcast_in_dim3A_314 = vector.broadcast %reduce_sum3A_313 : f32 to vector<16xf32>
      %select_n3A_315 = arith.select %eq3A_294, %broadcast_in_dim3A_314, %select_n3A_279 : vector<16xi1>, vector<16xf32>
      %add3A_316 = arith.constant 8 : i32
      %add3A_317 = arith.addi %mul3A_170, %add3A_316 : i32
      %get3A_318 = arith.index_cast %add3A_317 : i32 to index
      %get3A_319 = arith.constant 0 : index
      %get3A_320 = tpu.vector_load %arg6[%get3A_318, %get3A_319] {strides = array<i32>} : memref<1024x16xf32, #tpu.memory_space<vmem>>, vector<16xf32>,
      %add3A_321 = arith.constant 8 : i32
      %add3A_322 = arith.addi %mul3A_170, %add3A_321 : i32
      %add3A_323 = arith.constant 1 : i32
      %add3A_324 = arith.addi %add3A_322, %add3A_323 : i32
      %get3A_325 = arith.index_cast %add3A_324 : i32 to index
      %get3A_326 = arith.constant 0 : index
      %get3A_327 = tpu.vector_load %arg6[%get3A_325, %get3A_326] {strides = array<i32>} : memref<1024x16xf32, #tpu.memory_space<vmem>>, vector<16xf32>,
      %eq3A_328 = arith.constant 4 : i32
      %eq3A_329 = vector.broadcast %eq3A_328 : i32 to vector<16xi32>
      %eq3A_330 = arith.cmpi eq, %iota3A, %eq3A_329 : vector<16xi32>
      %mul3A_331 = arith.mulf %get3A_320, %get3A_320 : vector<16xf32>
      %reduce_sum3A_332 = arith.constant true
      %reduce_sum3A_333 = vector.broadcast %reduce_sum3A_332 : i1 to vector<16xi1>
      %reduce_sum3A_334 = tpu.scan <sum>, %mul3A_331 masked %reduce_sum3A_333 : vector<16xf32>, vector<16xi1> -> vector<16xf32>
      %reduce_sum3A_335 = vector.extract %reduce_sum3A_334[15] : f32 from vector<16xf32>
      %broadcast_in_dim3A_336 = vector.broadcast %reduce_sum3A_335 : f32 to vector<16xf32>
      %select_n3A_337 = arith.select %eq3A_330, %broadcast_in_dim3A_336, %select_n3A_301 : vector<16xi1>, vector<16xf32>
      %mul3A_338 = arith.mulf %get3A_327, %get3A_327 : vector<16xf32>
      %reduce_sum3A_339 = arith.constant true
      %reduce_sum3A_340 = vector.broadcast %reduce_sum3A_339 : i1 to vector<16xi1>
      %reduce_sum3A_341 = tpu.scan <sum>, %mul3A_338 masked %reduce_sum3A_340 : vector<16xf32>, vector<16xi1> -> vector<16xf32>
      %reduce_sum3A_342 = vector.extract %reduce_sum3A_341[15] : f32 from vector<16xf32>
      %broadcast_in_dim3A_343 = vector.broadcast %reduce_sum3A_342 : f32 to vector<16xf32>
      %select_n3A_344 = arith.select %eq3A_330, %broadcast_in_dim3A_343, %select_n3A_308 : vector<16xi1>, vector<16xf32>
      %mul3A_345 = arith.mulf %get3A_320, %get3A_327 : vector<16xf32>
      %reduce_sum3A_346 = arith.constant true
      %reduce_sum3A_347 = vector.broadcast %reduce_sum3A_346 : i1 to vector<16xi1>
      %reduce_sum3A_348 = tpu.scan <sum>, %mul3A_345 masked %reduce_sum3A_347 : vector<16xf32>, vector<16xi1> -> vector<16xf32>
      %reduce_sum3A_349 = vector.extract %reduce_sum3A_348[15] : f32 from vector<16xf32>
      %broadcast_in_dim3A_350 = vector.broadcast %reduce_sum3A_349 : f32 to vector<16xf32>
      %select_n3A_351 = arith.select %eq3A_330, %broadcast_in_dim3A_350, %select_n3A_315 : vector<16xi1>, vector<16xf32>
      %add3A_352 = arith.constant 10 : i32
      %add3A_353 = arith.addi %mul3A_170, %add3A_352 : i32
      %get3A_354 = arith.index_cast %add3A_353 : i32 to index
      %get3A_355 = arith.constant 0 : index
      %get3A_356 = tpu.vector_load %arg6[%get3A_354, %get3A_355] {strides = array<i32>} : memref<1024x16xf32, #tpu.memory_space<vmem>>, vector<16xf32>,
      %add3A_357 = arith.constant 10 : i32
      %add3A_358 = arith.addi %mul3A_170, %add3A_357 : i32
      %add3A_359 = arith.constant 1 : i32
      %add3A_360 = arith.addi %add3A_358, %add3A_359 : i32
      %get3A_361 = arith.index_cast %add3A_360 : i32 to index
      %get3A_362 = arith.constant 0 : index
      %get3A_363 = tpu.vector_load %arg6[%get3A_361, %get3A_362] {strides = array<i32>} : memref<1024x16xf32, #tpu.memory_space<vmem>>, vector<16xf32>,
      %eq3A_364 = arith.constant 5 : i32
      %eq3A_365 = vector.broadcast %eq3A_364 : i32 to vector<16xi32>
      %eq3A_366 = arith.cmpi eq, %iota3A, %eq3A_365 : vector<16xi32>
      %mul3A_367 = arith.mulf %get3A_356, %get3A_356 : vector<16xf32>
      %reduce_sum3A_368 = arith.constant true
      %reduce_sum3A_369 = vector.broadcast %reduce_sum3A_368 : i1 to vector<16xi1>
      %reduce_sum3A_370 = tpu.scan <sum>, %mul3A_367 masked %reduce_sum3A_369 : vector<16xf32>, vector<16xi1> -> vector<16xf32>
      %reduce_sum3A_371 = vector.extract %reduce_sum3A_370[15] : f32 from vector<16xf32>
      %broadcast_in_dim3A_372 = vector.broadcast %reduce_sum3A_371 : f32 to vector<16xf32>
      %select_n3A_373 = arith.select %eq3A_366, %broadcast_in_dim3A_372, %select_n3A_337 : vector<16xi1>, vector<16xf32>
      %mul3A_374 = arith.mulf %get3A_363, %get3A_363 : vector<16xf32>
      %reduce_sum3A_375 = arith.constant true
      %reduce_sum3A_376 = vector.broadcast %reduce_sum3A_375 : i1 to vector<16xi1>
      %reduce_sum3A_377 = tpu.scan <sum>, %mul3A_374 masked %reduce_sum3A_376 : vector<16xf32>, vector<16xi1> -> vector<16xf32>
      %reduce_sum3A_378 = vector.extract %reduce_sum3A_377[15] : f32 from vector<16xf32>
      %broadcast_in_dim3A_379 = vector.broadcast %reduce_sum3A_378 : f32 to vector<16xf32>
      %select_n3A_380 = arith.select %eq3A_366, %broadcast_in_dim3A_379, %select_n3A_344 : vector<16xi1>, vector<16xf32>
      %mul3A_381 = arith.mulf %get3A_356, %get3A_363 : vector<16xf32>
      %reduce_sum3A_382 = arith.constant true
      %reduce_sum3A_383 = vector.broadcast %reduce_sum3A_382 : i1 to vector<16xi1>
      %reduce_sum3A_384 = tpu.scan <sum>, %mul3A_381 masked %reduce_sum3A_383 : vector<16xf32>, vector<16xi1> -> vector<16xf32>
      %reduce_sum3A_385 = vector.extract %reduce_sum3A_384[15] : f32 from vector<16xf32>
      %broadcast_in_dim3A_386 = vector.broadcast %reduce_sum3A_385 : f32 to vector<16xf32>
      %select_n3A_387 = arith.select %eq3A_366, %broadcast_in_dim3A_386, %select_n3A_351 : vector<16xi1>, vector<16xf32>
      %add3A_388 = arith.constant 12 : i32
      %add3A_389 = arith.addi %mul3A_170, %add3A_388 : i32
      %get3A_390 = arith.index_cast %add3A_389 : i32 to index
      %get3A_391 = arith.constant 0 : index
      %get3A_392 = tpu.vector_load %arg6[%get3A_390, %get3A_391] {strides = array<i32>} : memref<1024x16xf32, #tpu.memory_space<vmem>>, vector<16xf32>,
      %add3A_393 = arith.constant 12 : i32
      %add3A_394 = arith.addi %mul3A_170, %add3A_393 : i32
      %add3A_395 = arith.constant 1 : i32
      %add3A_396 = arith.addi %add3A_394, %add3A_395 : i32
      %get3A_397 = arith.index_cast %add3A_396 : i32 to index
      %get3A_398 = arith.constant 0 : index
      %get3A_399 = tpu.vector_load %arg6[%get3A_397, %get3A_398] {strides = array<i32>} : memref<1024x16xf32, #tpu.memory_space<vmem>>, vector<16xf32>,
      %eq3A_400 = arith.constant 6 : i32
      %eq3A_401 = vector.broadcast %eq3A_400 : i32 to vector<16xi32>
      %eq3A_402 = arith.cmpi eq, %iota3A, %eq3A_401 : vector<16xi32>
      %mul3A_403 = arith.mulf %get3A_392, %get3A_392 : vector<16xf32>
      %reduce_sum3A_404 = arith.constant true
      %reduce_sum3A_405 = vector.broadcast %reduce_sum3A_404 : i1 to vector<16xi1>
      %reduce_sum3A_406 = tpu.scan <sum>, %mul3A_403 masked %reduce_sum3A_405 : vector<16xf32>, vector<16xi1> -> vector<16xf32>
      %reduce_sum3A_407 = vector.extract %reduce_sum3A_406[15] : f32 from vector<16xf32>
      %broadcast_in_dim3A_408 = vector.broadcast %reduce_sum3A_407 : f32 to vector<16xf32>
      %select_n3A_409 = arith.select %eq3A_402, %broadcast_in_dim3A_408, %select_n3A_373 : vector<16xi1>, vector<16xf32>
      %mul3A_410 = arith.mulf %get3A_399, %get3A_399 : vector<16xf32>
      %reduce_sum3A_411 = arith.constant true
      %reduce_sum3A_412 = vector.broadcast %reduce_sum3A_411 : i1 to vector<16xi1>
      %reduce_sum3A_413 = tpu.scan <sum>, %mul3A_410 masked %reduce_sum3A_412 : vector<16xf32>, vector<16xi1> -> vector<16xf32>
      %reduce_sum3A_414 = vector.extract %reduce_sum3A_413[15] : f32 from vector<16xf32>
      %broadcast_in_dim3A_415 = vector.broadcast %reduce_sum3A_414 : f32 to vector<16xf32>
      %select_n3A_416 = arith.select %eq3A_402, %broadcast_in_dim3A_415, %select_n3A_380 : vector<16xi1>, vector<16xf32>
      %mul3A_417 = arith.mulf %get3A_392, %get3A_399 : vector<16xf32>
      %reduce_sum3A_418 = arith.constant true
      %reduce_sum3A_419 = vector.broadcast %reduce_sum3A_418 : i1 to vector<16xi1>
      %reduce_sum3A_420 = tpu.scan <sum>, %mul3A_417 masked %reduce_sum3A_419 : vector<16xf32>, vector<16xi1> -> vector<16xf32>
      %reduce_sum3A_421 = vector.extract %reduce_sum3A_420[15] : f32 from vector<16xf32>
      %broadcast_in_dim3A_422 = vector.broadcast %reduce_sum3A_421 : f32 to vector<16xf32>
      %select_n3A_423 = arith.select %eq3A_402, %broadcast_in_dim3A_422, %select_n3A_387 : vector<16xi1>, vector<16xf32>
      %add3A_424 = arith.constant 14 : i32
      %add3A_425 = arith.addi %mul3A_170, %add3A_424 : i32
      %get3A_426 = arith.index_cast %add3A_425 : i32 to index
      %get3A_427 = arith.constant 0 : index
      %get3A_428 = tpu.vector_load %arg6[%get3A_426, %get3A_427] {strides = array<i32>} : memref<1024x16xf32, #tpu.memory_space<vmem>>, vector<16xf32>,
      %add3A_429 = arith.constant 14 : i32
      %add3A_430 = arith.addi %mul3A_170, %add3A_429 : i32
      %add3A_431 = arith.constant 1 : i32
      %add3A_432 = arith.addi %add3A_430, %add3A_431 : i32
      %get3A_433 = arith.index_cast %add3A_432 : i32 to index
      %get3A_434 = arith.constant 0 : index
      %get3A_435 = tpu.vector_load %arg6[%get3A_433, %get3A_434] {strides = array<i32>} : memref<1024x16xf32, #tpu.memory_space<vmem>>, vector<16xf32>,
      %eq3A_436 = arith.constant 7 : i32
      %eq3A_437 = vector.broadcast %eq3A_436 : i32 to vector<16xi32>
      %eq3A_438 = arith.cmpi eq, %iota3A, %eq3A_437 : vector<16xi32>
      %mul3A_439 = arith.mulf %get3A_428, %get3A_428 : vector<16xf32>
      %reduce_sum3A_440 = arith.constant true
      %reduce_sum3A_441 = vector.broadcast %reduce_sum3A_440 : i1 to vector<16xi1>
      %reduce_sum3A_442 = tpu.scan <sum>, %mul3A_439 masked %reduce_sum3A_441 : vector<16xf32>, vector<16xi1> -> vector<16xf32>
      %reduce_sum3A_443 = vector.extract %reduce_sum3A_442[15] : f32 from vector<16xf32>
      %broadcast_in_dim3A_444 = vector.broadcast %reduce_sum3A_443 : f32 to vector<16xf32>
      %select_n3A_445 = arith.select %eq3A_438, %broadcast_in_dim3A_444, %select_n3A_409 : vector<16xi1>, vector<16xf32>
      %mul3A_446 = arith.mulf %get3A_435, %get3A_435 : vector<16xf32>
      %reduce_sum3A_447 = arith.constant true
      %reduce_sum3A_448 = vector.broadcast %reduce_sum3A_447 : i1 to vector<16xi1>
      %reduce_sum3A_449 = tpu.scan <sum>, %mul3A_446 masked %reduce_sum3A_448 : vector<16xf32>, vector<16xi1> -> vector<16xf32>
      %reduce_sum3A_450 = vector.extract %reduce_sum3A_449[15] : f32 from vector<16xf32>
      %broadcast_in_dim3A_451 = vector.broadcast %reduce_sum3A_450 : f32 to vector<16xf32>
      %select_n3A_452 = arith.select %eq3A_438, %broadcast_in_dim3A_451, %select_n3A_416 : vector<16xi1>, vector<16xf32>
      %mul3A_453 = arith.mulf %get3A_428, %get3A_435 : vector<16xf32>
      %reduce_sum3A_454 = arith.constant true
      %reduce_sum3A_455 = vector.broadcast %reduce_sum3A_454 : i1 to vector<16xi1>
      %reduce_sum3A_456 = tpu.scan <sum>, %mul3A_453 masked %reduce_sum3A_455 : vector<16xf32>, vector<16xi1> -> vector<16xf32>
      %reduce_sum3A_457 = vector.extract %reduce_sum3A_456[15] : f32 from vector<16xf32>
      %broadcast_in_dim3A_458 = vector.broadcast %reduce_sum3A_457 : f32 to vector<16xf32>
      %select_n3A_459 = arith.select %eq3A_438, %broadcast_in_dim3A_458, %select_n3A_423 : vector<16xi1>, vector<16xf32>
      %add3A_460 = arith.constant 16 : i32
      %add3A_461 = arith.addi %mul3A_170, %add3A_460 : i32
      %get3A_462 = arith.index_cast %add3A_461 : i32 to index
      %get3A_463 = arith.constant 0 : index
      %get3A_464 = tpu.vector_load %arg6[%get3A_462, %get3A_463] {strides = array<i32>} : memref<1024x16xf32, #tpu.memory_space<vmem>>, vector<16xf32>,
      %add3A_465 = arith.constant 16 : i32
      %add3A_466 = arith.addi %mul3A_170, %add3A_465 : i32
      %add3A_467 = arith.constant 1 : i32
      %add3A_468 = arith.addi %add3A_466, %add3A_467 : i32
      %get3A_469 = arith.index_cast %add3A_468 : i32 to index
      %get3A_470 = arith.constant 0 : index
      %get3A_471 = tpu.vector_load %arg6[%get3A_469, %get3A_470] {strides = array<i32>} : memref<1024x16xf32, #tpu.memory_space<vmem>>, vector<16xf32>,
      %eq3A_472 = arith.constant 8 : i32
      %eq3A_473 = vector.broadcast %eq3A_472 : i32 to vector<16xi32>
      %eq3A_474 = arith.cmpi eq, %iota3A, %eq3A_473 : vector<16xi32>
      %mul3A_475 = arith.mulf %get3A_464, %get3A_464 : vector<16xf32>
      %reduce_sum3A_476 = arith.constant true
      %reduce_sum3A_477 = vector.broadcast %reduce_sum3A_476 : i1 to vector<16xi1>
      %reduce_sum3A_478 = tpu.scan <sum>, %mul3A_475 masked %reduce_sum3A_477 : vector<16xf32>, vector<16xi1> -> vector<16xf32>
      %reduce_sum3A_479 = vector.extract %reduce_sum3A_478[15] : f32 from vector<16xf32>
      %broadcast_in_dim3A_480 = vector.broadcast %reduce_sum3A_479 : f32 to vector<16xf32>
      %select_n3A_481 = arith.select %eq3A_474, %broadcast_in_dim3A_480, %select_n3A_445 : vector<16xi1>, vector<16xf32>
      %mul3A_482 = arith.mulf %get3A_471, %get3A_471 : vector<16xf32>
      %reduce_sum3A_483 = arith.constant true
      %reduce_sum3A_484 = vector.broadcast %reduce_sum3A_483 : i1 to vector<16xi1>
      %reduce_sum3A_485 = tpu.scan <sum>, %mul3A_482 masked %reduce_sum3A_484 : vector<16xf32>, vector<16xi1> -> vector<16xf32>
      %reduce_sum3A_486 = vector.extract %reduce_sum3A_485[15] : f32 from vector<16xf32>
      %broadcast_in_dim3A_487 = vector.broadcast %reduce_sum3A_486 : f32 to vector<16xf32>
      %select_n3A_488 = arith.select %eq3A_474, %broadcast_in_dim3A_487, %select_n3A_452 : vector<16xi1>, vector<16xf32>
      %mul3A_489 = arith.mulf %get3A_464, %get3A_471 : vector<16xf32>
      %reduce_sum3A_490 = arith.constant true
      %reduce_sum3A_491 = vector.broadcast %reduce_sum3A_490 : i1 to vector<16xi1>
      %reduce_sum3A_492 = tpu.scan <sum>, %mul3A_489 masked %reduce_sum3A_491 : vector<16xf32>, vector<16xi1> -> vector<16xf32>
      %reduce_sum3A_493 = vector.extract %reduce_sum3A_492[15] : f32 from vector<16xf32>
      %broadcast_in_dim3A_494 = vector.broadcast %reduce_sum3A_493 : f32 to vector<16xf32>
      %select_n3A_495 = arith.select %eq3A_474, %broadcast_in_dim3A_494, %select_n3A_459 : vector<16xi1>, vector<16xf32>
      %add3A_496 = arith.constant 18 : i32
      %add3A_497 = arith.addi %mul3A_170, %add3A_496 : i32
      %get3A_498 = arith.index_cast %add3A_497 : i32 to index
      %get3A_499 = arith.constant 0 : index
      %get3A_500 = tpu.vector_load %arg6[%get3A_498, %get3A_499] {strides = array<i32>} : memref<1024x16xf32, #tpu.memory_space<vmem>>, vector<16xf32>,
      %add3A_501 = arith.constant 18 : i32
      %add3A_502 = arith.addi %mul3A_170, %add3A_501 : i32
      %add3A_503 = arith.constant 1 : i32
      %add3A_504 = arith.addi %add3A_502, %add3A_503 : i32
      %get3A_505 = arith.index_cast %add3A_504 : i32 to index
      %get3A_506 = arith.constant 0 : index
      %get3A_507 = tpu.vector_load %arg6[%get3A_505, %get3A_506] {strides = array<i32>} : memref<1024x16xf32, #tpu.memory_space<vmem>>, vector<16xf32>,
      %eq3A_508 = arith.constant 9 : i32
      %eq3A_509 = vector.broadcast %eq3A_508 : i32 to vector<16xi32>
      %eq3A_510 = arith.cmpi eq, %iota3A, %eq3A_509 : vector<16xi32>
      %mul3A_511 = arith.mulf %get3A_500, %get3A_500 : vector<16xf32>
      %reduce_sum3A_512 = arith.constant true
      %reduce_sum3A_513 = vector.broadcast %reduce_sum3A_512 : i1 to vector<16xi1>
      %reduce_sum3A_514 = tpu.scan <sum>, %mul3A_511 masked %reduce_sum3A_513 : vector<16xf32>, vector<16xi1> -> vector<16xf32>
      %reduce_sum3A_515 = vector.extract %reduce_sum3A_514[15] : f32 from vector<16xf32>
      %broadcast_in_dim3A_516 = vector.broadcast %reduce_sum3A_515 : f32 to vector<16xf32>
      %select_n3A_517 = arith.select %eq3A_510, %broadcast_in_dim3A_516, %select_n3A_481 : vector<16xi1>, vector<16xf32>
      %mul3A_518 = arith.mulf %get3A_507, %get3A_507 : vector<16xf32>
      %reduce_sum3A_519 = arith.constant true
      %reduce_sum3A_520 = vector.broadcast %reduce_sum3A_519 : i1 to vector<16xi1>
      %reduce_sum3A_521 = tpu.scan <sum>, %mul3A_518 masked %reduce_sum3A_520 : vector<16xf32>, vector<16xi1> -> vector<16xf32>
      %reduce_sum3A_522 = vector.extract %reduce_sum3A_521[15] : f32 from vector<16xf32>
      %broadcast_in_dim3A_523 = vector.broadcast %reduce_sum3A_522 : f32 to vector<16xf32>
      %select_n3A_524 = arith.select %eq3A_510, %broadcast_in_dim3A_523, %select_n3A_488 : vector<16xi1>, vector<16xf32>
      %mul3A_525 = arith.mulf %get3A_500, %get3A_507 : vector<16xf32>
      %reduce_sum3A_526 = arith.constant true
      %reduce_sum3A_527 = vector.broadcast %reduce_sum3A_526 : i1 to vector<16xi1>
      %reduce_sum3A_528 = tpu.scan <sum>, %mul3A_525 masked %reduce_sum3A_527 : vector<16xf32>, vector<16xi1> -> vector<16xf32>
      %reduce_sum3A_529 = vector.extract %reduce_sum3A_528[15] : f32 from vector<16xf32>
      %broadcast_in_dim3A_530 = vector.broadcast %reduce_sum3A_529 : f32 to vector<16xf32>
      %select_n3A_531 = arith.select %eq3A_510, %broadcast_in_dim3A_530, %select_n3A_495 : vector<16xi1>, vector<16xf32>
      %add3A_532 = arith.constant 20 : i32
      %add3A_533 = arith.addi %mul3A_170, %add3A_532 : i32
      %get3A_534 = arith.index_cast %add3A_533 : i32 to index
      %get3A_535 = arith.constant 0 : index
      %get3A_536 = tpu.vector_load %arg6[%get3A_534, %get3A_535] {strides = array<i32>} : memref<1024x16xf32, #tpu.memory_space<vmem>>, vector<16xf32>,
      %add3A_537 = arith.constant 20 : i32
      %add3A_538 = arith.addi %mul3A_170, %add3A_537 : i32
      %add3A_539 = arith.constant 1 : i32
      %add3A_540 = arith.addi %add3A_538, %add3A_539 : i32
      %get3A_541 = arith.index_cast %add3A_540 : i32 to index
      %get3A_542 = arith.constant 0 : index
      %get3A_543 = tpu.vector_load %arg6[%get3A_541, %get3A_542] {strides = array<i32>} : memref<1024x16xf32, #tpu.memory_space<vmem>>, vector<16xf32>,
      %eq3A_544 = arith.constant 10 : i32
      %eq3A_545 = vector.broadcast %eq3A_544 : i32 to vector<16xi32>
      %eq3A_546 = arith.cmpi eq, %iota3A, %eq3A_545 : vector<16xi32>
      %mul3A_547 = arith.mulf %get3A_536, %get3A_536 : vector<16xf32>
      %reduce_sum3A_548 = arith.constant true
      %reduce_sum3A_549 = vector.broadcast %reduce_sum3A_548 : i1 to vector<16xi1>
      %reduce_sum3A_550 = tpu.scan <sum>, %mul3A_547 masked %reduce_sum3A_549 : vector<16xf32>, vector<16xi1> -> vector<16xf32>
      %reduce_sum3A_551 = vector.extract %reduce_sum3A_550[15] : f32 from vector<16xf32>
      %broadcast_in_dim3A_552 = vector.broadcast %reduce_sum3A_551 : f32 to vector<16xf32>
      %select_n3A_553 = arith.select %eq3A_546, %broadcast_in_dim3A_552, %select_n3A_517 : vector<16xi1>, vector<16xf32>
      %mul3A_554 = arith.mulf %get3A_543, %get3A_543 : vector<16xf32>
      %reduce_sum3A_555 = arith.constant true
      %reduce_sum3A_556 = vector.broadcast %reduce_sum3A_555 : i1 to vector<16xi1>
      %reduce_sum3A_557 = tpu.scan <sum>, %mul3A_554 masked %reduce_sum3A_556 : vector<16xf32>, vector<16xi1> -> vector<16xf32>
      %reduce_sum3A_558 = vector.extract %reduce_sum3A_557[15] : f32 from vector<16xf32>
      %broadcast_in_dim3A_559 = vector.broadcast %reduce_sum3A_558 : f32 to vector<16xf32>
      %select_n3A_560 = arith.select %eq3A_546, %broadcast_in_dim3A_559, %select_n3A_524 : vector<16xi1>, vector<16xf32>
      %mul3A_561 = arith.mulf %get3A_536, %get3A_543 : vector<16xf32>
      %reduce_sum3A_562 = arith.constant true
      %reduce_sum3A_563 = vector.broadcast %reduce_sum3A_562 : i1 to vector<16xi1>
      %reduce_sum3A_564 = tpu.scan <sum>, %mul3A_561 masked %reduce_sum3A_563 : vector<16xf32>, vector<16xi1> -> vector<16xf32>
      %reduce_sum3A_565 = vector.extract %reduce_sum3A_564[15] : f32 from vector<16xf32>
      %broadcast_in_dim3A_566 = vector.broadcast %reduce_sum3A_565 : f32 to vector<16xf32>
      %select_n3A_567 = arith.select %eq3A_546, %broadcast_in_dim3A_566, %select_n3A_531 : vector<16xi1>, vector<16xf32>
      %add3A_568 = arith.constant 22 : i32
      %add3A_569 = arith.addi %mul3A_170, %add3A_568 : i32
      %get3A_570 = arith.index_cast %add3A_569 : i32 to index
      %get3A_571 = arith.constant 0 : index
      %get3A_572 = tpu.vector_load %arg6[%get3A_570, %get3A_571] {strides = array<i32>} : memref<1024x16xf32, #tpu.memory_space<vmem>>, vector<16xf32>,
      %add3A_573 = arith.constant 22 : i32
      %add3A_574 = arith.addi %mul3A_170, %add3A_573 : i32
      %add3A_575 = arith.constant 1 : i32
      %add3A_576 = arith.addi %add3A_574, %add3A_575 : i32
      %get3A_577 = arith.index_cast %add3A_576 : i32 to index
      %get3A_578 = arith.constant 0 : index
      %get3A_579 = tpu.vector_load %arg6[%get3A_577, %get3A_578] {strides = array<i32>} : memref<1024x16xf32, #tpu.memory_space<vmem>>, vector<16xf32>,
      %eq3A_580 = arith.constant 11 : i32
      %eq3A_581 = vector.broadcast %eq3A_580 : i32 to vector<16xi32>
      %eq3A_582 = arith.cmpi eq, %iota3A, %eq3A_581 : vector<16xi32>
      %mul3A_583 = arith.mulf %get3A_572, %get3A_572 : vector<16xf32>
      %reduce_sum3A_584 = arith.constant true
      %reduce_sum3A_585 = vector.broadcast %reduce_sum3A_584 : i1 to vector<16xi1>
      %reduce_sum3A_586 = tpu.scan <sum>, %mul3A_583 masked %reduce_sum3A_585 : vector<16xf32>, vector<16xi1> -> vector<16xf32>
      %reduce_sum3A_587 = vector.extract %reduce_sum3A_586[15] : f32 from vector<16xf32>
      %broadcast_in_dim3A_588 = vector.broadcast %reduce_sum3A_587 : f32 to vector<16xf32>
      %select_n3A_589 = arith.select %eq3A_582, %broadcast_in_dim3A_588, %select_n3A_553 : vector<16xi1>, vector<16xf32>
      %mul3A_590 = arith.mulf %get3A_579, %get3A_579 : vector<16xf32>
      %reduce_sum3A_591 = arith.constant true
      %reduce_sum3A_592 = vector.broadcast %reduce_sum3A_591 : i1 to vector<16xi1>
      %reduce_sum3A_593 = tpu.scan <sum>, %mul3A_590 masked %reduce_sum3A_592 : vector<16xf32>, vector<16xi1> -> vector<16xf32>
      %reduce_sum3A_594 = vector.extract %reduce_sum3A_593[15] : f32 from vector<16xf32>
      %broadcast_in_dim3A_595 = vector.broadcast %reduce_sum3A_594 : f32 to vector<16xf32>
      %select_n3A_596 = arith.select %eq3A_582, %broadcast_in_dim3A_595, %select_n3A_560 : vector<16xi1>, vector<16xf32>
      %mul3A_597 = arith.mulf %get3A_572, %get3A_579 : vector<16xf32>
      %reduce_sum3A_598 = arith.constant true
      %reduce_sum3A_599 = vector.broadcast %reduce_sum3A_598 : i1 to vector<16xi1>
      %reduce_sum3A_600 = tpu.scan <sum>, %mul3A_597 masked %reduce_sum3A_599 : vector<16xf32>, vector<16xi1> -> vector<16xf32>
      %reduce_sum3A_601 = vector.extract %reduce_sum3A_600[15] : f32 from vector<16xf32>
      %broadcast_in_dim3A_602 = vector.broadcast %reduce_sum3A_601 : f32 to vector<16xf32>
      %select_n3A_603 = arith.select %eq3A_582, %broadcast_in_dim3A_602, %select_n3A_567 : vector<16xi1>, vector<16xf32>
      %add3A_604 = arith.constant 24 : i32
      %add3A_605 = arith.addi %mul3A_170, %add3A_604 : i32
      %get3A_606 = arith.index_cast %add3A_605 : i32 to index
      %get3A_607 = arith.constant 0 : index
      %get3A_608 = tpu.vector_load %arg6[%get3A_606, %get3A_607] {strides = array<i32>} : memref<1024x16xf32, #tpu.memory_space<vmem>>, vector<16xf32>,
      %add3A_609 = arith.constant 24 : i32
      %add3A_610 = arith.addi %mul3A_170, %add3A_609 : i32
      %add3A_611 = arith.constant 1 : i32
      %add3A_612 = arith.addi %add3A_610, %add3A_611 : i32
      %get3A_613 = arith.index_cast %add3A_612 : i32 to index
      %get3A_614 = arith.constant 0 : index
      %get3A_615 = tpu.vector_load %arg6[%get3A_613, %get3A_614] {strides = array<i32>} : memref<1024x16xf32, #tpu.memory_space<vmem>>, vector<16xf32>,
      %eq3A_616 = arith.constant 12 : i32
      %eq3A_617 = vector.broadcast %eq3A_616 : i32 to vector<16xi32>
      %eq3A_618 = arith.cmpi eq, %iota3A, %eq3A_617 : vector<16xi32>
      %mul3A_619 = arith.mulf %get3A_608, %get3A_608 : vector<16xf32>
      %reduce_sum3A_620 = arith.constant true
      %reduce_sum3A_621 = vector.broadcast %reduce_sum3A_620 : i1 to vector<16xi1>
      %reduce_sum3A_622 = tpu.scan <sum>, %mul3A_619 masked %reduce_sum3A_621 : vector<16xf32>, vector<16xi1> -> vector<16xf32>
      %reduce_sum3A_623 = vector.extract %reduce_sum3A_622[15] : f32 from vector<16xf32>
      %broadcast_in_dim3A_624 = vector.broadcast %reduce_sum3A_623 : f32 to vector<16xf32>
      %select_n3A_625 = arith.select %eq3A_618, %broadcast_in_dim3A_624, %select_n3A_589 : vector<16xi1>, vector<16xf32>
      %mul3A_626 = arith.mulf %get3A_615, %get3A_615 : vector<16xf32>
      %reduce_sum3A_627 = arith.constant true
      %reduce_sum3A_628 = vector.broadcast %reduce_sum3A_627 : i1 to vector<16xi1>
      %reduce_sum3A_629 = tpu.scan <sum>, %mul3A_626 masked %reduce_sum3A_628 : vector<16xf32>, vector<16xi1> -> vector<16xf32>
      %reduce_sum3A_630 = vector.extract %reduce_sum3A_629[15] : f32 from vector<16xf32>
      %broadcast_in_dim3A_631 = vector.broadcast %reduce_sum3A_630 : f32 to vector<16xf32>
      %select_n3A_632 = arith.select %eq3A_618, %broadcast_in_dim3A_631, %select_n3A_596 : vector<16xi1>, vector<16xf32>
      %mul3A_633 = arith.mulf %get3A_608, %get3A_615 : vector<16xf32>
      %reduce_sum3A_634 = arith.constant true
      %reduce_sum3A_635 = vector.broadcast %reduce_sum3A_634 : i1 to vector<16xi1>
      %reduce_sum3A_636 = tpu.scan <sum>, %mul3A_633 masked %reduce_sum3A_635 : vector<16xf32>, vector<16xi1> -> vector<16xf32>
      %reduce_sum3A_637 = vector.extract %reduce_sum3A_636[15] : f32 from vector<16xf32>
      %broadcast_in_dim3A_638 = vector.broadcast %reduce_sum3A_637 : f32 to vector<16xf32>
      %select_n3A_639 = arith.select %eq3A_618, %broadcast_in_dim3A_638, %select_n3A_603 : vector<16xi1>, vector<16xf32>
      %add3A_640 = arith.constant 26 : i32
      %add3A_641 = arith.addi %mul3A_170, %add3A_640 : i32
      %get3A_642 = arith.index_cast %add3A_641 : i32 to index
      %get3A_643 = arith.constant 0 : index
      %get3A_644 = tpu.vector_load %arg6[%get3A_642, %get3A_643] {strides = array<i32>} : memref<1024x16xf32, #tpu.memory_space<vmem>>, vector<16xf32>,
      %add3A_645 = arith.constant 26 : i32
      %add3A_646 = arith.addi %mul3A_170, %add3A_645 : i32
      %add3A_647 = arith.constant 1 : i32
      %add3A_648 = arith.addi %add3A_646, %add3A_647 : i32
      %get3A_649 = arith.index_cast %add3A_648 : i32 to index
      %get3A_650 = arith.constant 0 : index
      %get3A_651 = tpu.vector_load %arg6[%get3A_649, %get3A_650] {strides = array<i32>} : memref<1024x16xf32, #tpu.memory_space<vmem>>, vector<16xf32>,
      %eq3A_652 = arith.constant 13 : i32
      %eq3A_653 = vector.broadcast %eq3A_652 : i32 to vector<16xi32>
      %eq3A_654 = arith.cmpi eq, %iota3A, %eq3A_653 : vector<16xi32>
      %mul3A_655 = arith.mulf %get3A_644, %get3A_644 : vector<16xf32>
      %reduce_sum3A_656 = arith.constant true
      %reduce_sum3A_657 = vector.broadcast %reduce_sum3A_656 : i1 to vector<16xi1>
      %reduce_sum3A_658 = tpu.scan <sum>, %mul3A_655 masked %reduce_sum3A_657 : vector<16xf32>, vector<16xi1> -> vector<16xf32>
      %reduce_sum3A_659 = vector.extract %reduce_sum3A_658[15] : f32 from vector<16xf32>
      %broadcast_in_dim3A_660 = vector.broadcast %reduce_sum3A_659 : f32 to vector<16xf32>
      %select_n3A_661 = arith.select %eq3A_654, %broadcast_in_dim3A_660, %select_n3A_625 : vector<16xi1>, vector<16xf32>
      %mul3A_662 = arith.mulf %get3A_651, %get3A_651 : vector<16xf32>
      %reduce_sum3A_663 = arith.constant true
      %reduce_sum3A_664 = vector.broadcast %reduce_sum3A_663 : i1 to vector<16xi1>
      %reduce_sum3A_665 = tpu.scan <sum>, %mul3A_662 masked %reduce_sum3A_664 : vector<16xf32>, vector<16xi1> -> vector<16xf32>
      %reduce_sum3A_666 = vector.extract %reduce_sum3A_665[15] : f32 from vector<16xf32>
      %broadcast_in_dim3A_667 = vector.broadcast %reduce_sum3A_666 : f32 to vector<16xf32>
      %select_n3A_668 = arith.select %eq3A_654, %broadcast_in_dim3A_667, %select_n3A_632 : vector<16xi1>, vector<16xf32>
      %mul3A_669 = arith.mulf %get3A_644, %get3A_651 : vector<16xf32>
      %reduce_sum3A_670 = arith.constant true
      %reduce_sum3A_671 = vector.broadcast %reduce_sum3A_670 : i1 to vector<16xi1>
      %reduce_sum3A_672 = tpu.scan <sum>, %mul3A_669 masked %reduce_sum3A_671 : vector<16xf32>, vector<16xi1> -> vector<16xf32>
      %reduce_sum3A_673 = vector.extract %reduce_sum3A_672[15] : f32 from vector<16xf32>
      %broadcast_in_dim3A_674 = vector.broadcast %reduce_sum3A_673 : f32 to vector<16xf32>
      %select_n3A_675 = arith.select %eq3A_654, %broadcast_in_dim3A_674, %select_n3A_639 : vector<16xi1>, vector<16xf32>
      %add3A_676 = arith.constant 28 : i32
      %add3A_677 = arith.addi %mul3A_170, %add3A_676 : i32
      %get3A_678 = arith.index_cast %add3A_677 : i32 to index
      %get3A_679 = arith.constant 0 : index
      %get3A_680 = tpu.vector_load %arg6[%get3A_678, %get3A_679] {strides = array<i32>} : memref<1024x16xf32, #tpu.memory_space<vmem>>, vector<16xf32>,
      %add3A_681 = arith.constant 28 : i32
      %add3A_682 = arith.addi %mul3A_170, %add3A_681 : i32
      %add3A_683 = arith.constant 1 : i32
      %add3A_684 = arith.addi %add3A_682, %add3A_683 : i32
      %get3A_685 = arith.index_cast %add3A_684 : i32 to index
      %get3A_686 = arith.constant 0 : index
      %get3A_687 = tpu.vector_load %arg6[%get3A_685, %get3A_686] {strides = array<i32>} : memref<1024x16xf32, #tpu.memory_space<vmem>>, vector<16xf32>,
      %eq3A_688 = arith.constant 14 : i32
      %eq3A_689 = vector.broadcast %eq3A_688 : i32 to vector<16xi32>
      %eq3A_690 = arith.cmpi eq, %iota3A, %eq3A_689 : vector<16xi32>
      %mul3A_691 = arith.mulf %get3A_680, %get3A_680 : vector<16xf32>
      %reduce_sum3A_692 = arith.constant true
      %reduce_sum3A_693 = vector.broadcast %reduce_sum3A_692 : i1 to vector<16xi1>
      %reduce_sum3A_694 = tpu.scan <sum>, %mul3A_691 masked %reduce_sum3A_693 : vector<16xf32>, vector<16xi1> -> vector<16xf32>
      %reduce_sum3A_695 = vector.extract %reduce_sum3A_694[15] : f32 from vector<16xf32>
      %broadcast_in_dim3A_696 = vector.broadcast %reduce_sum3A_695 : f32 to vector<16xf32>
      %select_n3A_697 = arith.select %eq3A_690, %broadcast_in_dim3A_696, %select_n3A_661 : vector<16xi1>, vector<16xf32>
      %mul3A_698 = arith.mulf %get3A_687, %get3A_687 : vector<16xf32>
      %reduce_sum3A_699 = arith.constant true
      %reduce_sum3A_700 = vector.broadcast %reduce_sum3A_699 : i1 to vector<16xi1>
      %reduce_sum3A_701 = tpu.scan <sum>, %mul3A_698 masked %reduce_sum3A_700 : vector<16xf32>, vector<16xi1> -> vector<16xf32>
      %reduce_sum3A_702 = vector.extract %reduce_sum3A_701[15] : f32 from vector<16xf32>
      %broadcast_in_dim3A_703 = vector.broadcast %reduce_sum3A_702 : f32 to vector<16xf32>
      %select_n3A_704 = arith.select %eq3A_690, %broadcast_in_dim3A_703, %select_n3A_668 : vector<16xi1>, vector<16xf32>
      %mul3A_705 = arith.mulf %get3A_680, %get3A_687 : vector<16xf32>
      %reduce_sum3A_706 = arith.constant true
      %reduce_sum3A_707 = vector.broadcast %reduce_sum3A_706 : i1 to vector<16xi1>
      %reduce_sum3A_708 = tpu.scan <sum>, %mul3A_705 masked %reduce_sum3A_707 : vector<16xf32>, vector<16xi1> -> vector<16xf32>
      %reduce_sum3A_709 = vector.extract %reduce_sum3A_708[15] : f32 from vector<16xf32>
      %broadcast_in_dim3A_710 = vector.broadcast %reduce_sum3A_709 : f32 to vector<16xf32>
      %select_n3A_711 = arith.select %eq3A_690, %broadcast_in_dim3A_710, %select_n3A_675 : vector<16xi1>, vector<16xf32>
      %add3A_712 = arith.constant 30 : i32
      %add3A_713 = arith.addi %mul3A_170, %add3A_712 : i32
      %get3A_714 = arith.index_cast %add3A_713 : i32 to index
      %get3A_715 = arith.constant 0 : index
      %get3A_716 = tpu.vector_load %arg6[%get3A_714, %get3A_715] {strides = array<i32>} : memref<1024x16xf32, #tpu.memory_space<vmem>>, vector<16xf32>,
      %add3A_717 = arith.constant 30 : i32
      %add3A_718 = arith.addi %mul3A_170, %add3A_717 : i32
      %add3A_719 = arith.constant 1 : i32
      %add3A_720 = arith.addi %add3A_718, %add3A_719 : i32
      %get3A_721 = arith.index_cast %add3A_720 : i32 to index
      %get3A_722 = arith.constant 0 : index
      %get3A_723 = tpu.vector_load %arg6[%get3A_721, %get3A_722] {strides = array<i32>} : memref<1024x16xf32, #tpu.memory_space<vmem>>, vector<16xf32>,
      %eq3A_724 = arith.constant 15 : i32
      %eq3A_725 = vector.broadcast %eq3A_724 : i32 to vector<16xi32>
      %eq3A_726 = arith.cmpi eq, %iota3A, %eq3A_725 : vector<16xi32>
      %mul3A_727 = arith.mulf %get3A_716, %get3A_716 : vector<16xf32>
      %reduce_sum3A_728 = arith.constant true
      %reduce_sum3A_729 = vector.broadcast %reduce_sum3A_728 : i1 to vector<16xi1>
      %reduce_sum3A_730 = tpu.scan <sum>, %mul3A_727 masked %reduce_sum3A_729 : vector<16xf32>, vector<16xi1> -> vector<16xf32>
      %reduce_sum3A_731 = vector.extract %reduce_sum3A_730[15] : f32 from vector<16xf32>
      %broadcast_in_dim3A_732 = vector.broadcast %reduce_sum3A_731 : f32 to vector<16xf32>
      %select_n3A_733 = arith.select %eq3A_726, %broadcast_in_dim3A_732, %select_n3A_697 : vector<16xi1>, vector<16xf32>
      %mul3A_734 = arith.mulf %get3A_723, %get3A_723 : vector<16xf32>
      %reduce_sum3A_735 = arith.constant true
      %reduce_sum3A_736 = vector.broadcast %reduce_sum3A_735 : i1 to vector<16xi1>
      %reduce_sum3A_737 = tpu.scan <sum>, %mul3A_734 masked %reduce_sum3A_736 : vector<16xf32>, vector<16xi1> -> vector<16xf32>
      %reduce_sum3A_738 = vector.extract %reduce_sum3A_737[15] : f32 from vector<16xf32>
      %broadcast_in_dim3A_739 = vector.broadcast %reduce_sum3A_738 : f32 to vector<16xf32>
      %select_n3A_740 = arith.select %eq3A_726, %broadcast_in_dim3A_739, %select_n3A_704 : vector<16xi1>, vector<16xf32>
      %mul3A_741 = arith.mulf %get3A_716, %get3A_723 : vector<16xf32>
      %reduce_sum3A_742 = arith.constant true
      %reduce_sum3A_743 = vector.broadcast %reduce_sum3A_742 : i1 to vector<16xi1>
      %reduce_sum3A_744 = tpu.scan <sum>, %mul3A_741 masked %reduce_sum3A_743 : vector<16xf32>, vector<16xi1> -> vector<16xf32>
      %reduce_sum3A_745 = vector.extract %reduce_sum3A_744[15] : f32 from vector<16xf32>
      %broadcast_in_dim3A_746 = vector.broadcast %reduce_sum3A_745 : f32 to vector<16xf32>
      %select_n3A_747 = arith.select %eq3A_726, %broadcast_in_dim3A_746, %select_n3A_711 : vector<16xi1>, vector<16xf32>
      %bitcast_convert_type3A = tpu.bitcast %select_n3A_733 : vector<16xf32> -> vector<16xi32>
      %broadcast_in_dim3A_748 = arith.constant 1 : i32
      %broadcast_in_dim3A_749 = vector.broadcast %broadcast_in_dim3A_748 : i32 to vector<16xi32>
      %shift_right_arithmetic3A = arith.shrsi %bitcast_convert_type3A, %broadcast_in_dim3A_749 : vector<16xi32>
      %sub3A = arith.constant 1597463007 : i32
      %sub3A_750 = vector.broadcast %sub3A : i32 to vector<16xi32>
      %sub3A_751 = arith.subi %sub3A_750, %shift_right_arithmetic3A : vector<16xi32>
      %bitcast_convert_type3A_752 = tpu.bitcast %sub3A_751 : vector<16xi32> -> vector<16xf32>
      %mul3A_753 = arith.constant 5.000000e-01 : f32
      %mul3A_754 = vector.broadcast %mul3A_753 : f32 to vector<16xf32>
      %mul3A_755 = arith.mulf %mul3A_754, %select_n3A_733 : vector<16xf32>
      %mul3A_756 = arith.mulf %mul3A_755, %bitcast_convert_type3A_752 : vector<16xf32>
      %mul3A_757 = arith.mulf %mul3A_756, %bitcast_convert_type3A_752 : vector<16xf32>
      %sub3A_758 = arith.constant 1.500000e+00 : f32
      %sub3A_759 = vector.broadcast %sub3A_758 : f32 to vector<16xf32>
      %sub3A_760 = arith.subf %sub3A_759, %mul3A_757 : vector<16xf32>
      %mul3A_761 = arith.mulf %bitcast_convert_type3A_752, %sub3A_760 : vector<16xf32>
      %mul3A_762 = arith.constant 5.000000e-01 : f32
      %mul3A_763 = vector.broadcast %mul3A_762 : f32 to vector<16xf32>
      %mul3A_764 = arith.mulf %mul3A_763, %select_n3A_733 : vector<16xf32>
      %mul3A_765 = arith.mulf %mul3A_764, %mul3A_761 : vector<16xf32>
      %mul3A_766 = arith.mulf %mul3A_765, %mul3A_761 : vector<16xf32>
      %sub3A_767 = arith.constant 1.500000e+00 : f32
      %sub3A_768 = vector.broadcast %sub3A_767 : f32 to vector<16xf32>
      %sub3A_769 = arith.subf %sub3A_768, %mul3A_766 : vector<16xf32>
      %mul3A_770 = arith.mulf %mul3A_761, %sub3A_769 : vector<16xf32>
      %mul3A_771 = arith.constant 5.000000e-01 : f32
      %mul3A_772 = vector.broadcast %mul3A_771 : f32 to vector<16xf32>
      %mul3A_773 = arith.mulf %mul3A_772, %select_n3A_733 : vector<16xf32>
      %mul3A_774 = arith.mulf %mul3A_773, %mul3A_770 : vector<16xf32>
      %mul3A_775 = arith.mulf %mul3A_774, %mul3A_770 : vector<16xf32>
      %sub3A_776 = arith.constant 1.500000e+00 : f32
      %sub3A_777 = vector.broadcast %sub3A_776 : f32 to vector<16xf32>
      %sub3A_778 = arith.subf %sub3A_777, %mul3A_775 : vector<16xf32>
      %mul3A_779 = arith.mulf %mul3A_770, %sub3A_778 : vector<16xf32>
      %gt3A = arith.constant 1.000000e+00 : f32
      %gt3A_780 = vector.broadcast %gt3A : f32 to vector<16xf32>
      %gt3A_781 = arith.cmpf ogt, %select_n3A_733, %gt3A_780 : vector<16xf32>
      %broadcast_in_dim3A_782 = arith.constant 1.000000e+00 : f32
      %broadcast_in_dim3A_783 = vector.broadcast %broadcast_in_dim3A_782 : f32 to vector<16xf32>
      %select_n3A_784 = arith.select %gt3A_781, %mul3A_779, %broadcast_in_dim3A_783 : vector<16xi1>, vector<16xf32>
      %mul3A_785 = arith.mulf %select_n3A_747, %select_n3A_784 : vector<16xf32>
      %bitcast_convert_type3A_786 = tpu.bitcast %select_n3A_740 : vector<16xf32> -> vector<16xi32>
      %broadcast_in_dim3A_787 = arith.constant 1 : i32
      %broadcast_in_dim3A_788 = vector.broadcast %broadcast_in_dim3A_787 : i32 to vector<16xi32>
      %shift_right_arithmetic3A_789 = arith.shrsi %bitcast_convert_type3A_786, %broadcast_in_dim3A_788 : vector<16xi32>
      %sub3A_790 = arith.constant 1597463007 : i32
      %sub3A_791 = vector.broadcast %sub3A_790 : i32 to vector<16xi32>
      %sub3A_792 = arith.subi %sub3A_791, %shift_right_arithmetic3A_789 : vector<16xi32>
      %bitcast_convert_type3A_793 = tpu.bitcast %sub3A_792 : vector<16xi32> -> vector<16xf32>
      %mul3A_794 = arith.constant 5.000000e-01 : f32
      %mul3A_795 = vector.broadcast %mul3A_794 : f32 to vector<16xf32>
      %mul3A_796 = arith.mulf %mul3A_795, %select_n3A_740 : vector<16xf32>
      %mul3A_797 = arith.mulf %mul3A_796, %bitcast_convert_type3A_793 : vector<16xf32>
      %mul3A_798 = arith.mulf %mul3A_797, %bitcast_convert_type3A_793 : vector<16xf32>
      %sub3A_799 = arith.constant 1.500000e+00 : f32
      %sub3A_800 = vector.broadcast %sub3A_799 : f32 to vector<16xf32>
      %sub3A_801 = arith.subf %sub3A_800, %mul3A_798 : vector<16xf32>
      %mul3A_802 = arith.mulf %bitcast_convert_type3A_793, %sub3A_801 : vector<16xf32>
      %mul3A_803 = arith.constant 5.000000e-01 : f32
      %mul3A_804 = vector.broadcast %mul3A_803 : f32 to vector<16xf32>
      %mul3A_805 = arith.mulf %mul3A_804, %select_n3A_740 : vector<16xf32>
      %mul3A_806 = arith.mulf %mul3A_805, %mul3A_802 : vector<16xf32>
      %mul3A_807 = arith.mulf %mul3A_806, %mul3A_802 : vector<16xf32>
      %sub3A_808 = arith.constant 1.500000e+00 : f32
      %sub3A_809 = vector.broadcast %sub3A_808 : f32 to vector<16xf32>
      %sub3A_810 = arith.subf %sub3A_809, %mul3A_807 : vector<16xf32>
      %mul3A_811 = arith.mulf %mul3A_802, %sub3A_810 : vector<16xf32>
      %mul3A_812 = arith.constant 5.000000e-01 : f32
      %mul3A_813 = vector.broadcast %mul3A_812 : f32 to vector<16xf32>
      %mul3A_814 = arith.mulf %mul3A_813, %select_n3A_740 : vector<16xf32>
      %mul3A_815 = arith.mulf %mul3A_814, %mul3A_811 : vector<16xf32>
      %mul3A_816 = arith.mulf %mul3A_815, %mul3A_811 : vector<16xf32>
      %sub3A_817 = arith.constant 1.500000e+00 : f32
      %sub3A_818 = vector.broadcast %sub3A_817 : f32 to vector<16xf32>
      %sub3A_819 = arith.subf %sub3A_818, %mul3A_816 : vector<16xf32>
      %mul3A_820 = arith.mulf %mul3A_811, %sub3A_819 : vector<16xf32>
      %gt3A_821 = arith.constant 1.000000e+00 : f32
      %gt3A_822 = vector.broadcast %gt3A_821 : f32 to vector<16xf32>
      %gt3A_823 = arith.cmpf ogt, %select_n3A_740, %gt3A_822 : vector<16xf32>
      %broadcast_in_dim3A_824 = arith.constant 1.000000e+00 : f32
      %broadcast_in_dim3A_825 = vector.broadcast %broadcast_in_dim3A_824 : f32 to vector<16xf32>
      %select_n3A_826 = arith.select %gt3A_823, %mul3A_820, %broadcast_in_dim3A_825 : vector<16xi1>, vector<16xf32>
      %mul3A_827 = arith.mulf %mul3A_785, %select_n3A_826 : vector<16xf32>
      %neg3A = arith.constant 0.000000e+00 : f32
      %neg3A_828 = vector.broadcast %neg3A : f32 to vector<16xf32>
      %neg3A_829 = arith.subf %neg3A_828, %mul3A_827 : vector<16xf32>
      %exp3A = math.exp %neg3A_829 : vector<16xf32>
      %add3A_830 = arith.constant 1.000000e+00 : f32
      %add3A_831 = vector.broadcast %add3A_830 : f32 to vector<16xf32>
      %add3A_832 = arith.addf %add3A_831, %exp3A : vector<16xf32>
      %div3A = arith.constant 1.000000e+00 : f32
      %div3A_833 = vector.broadcast %div3A : f32 to vector<16xf32>
      %div3A_834 = arith.divf %div3A_833, %add3A_832 : vector<16xf32>
      %mul3A_835 = arith.constant 16 : i32
      %mul3A_836 = arith.muli %scan3A_168, %mul3A_835 : i32
      %swap3A = arith.index_cast %mul3A_836 : i32 to index
      %swap3A_837 = tpu.vector_load %arg7[%swap3A] {strides = array<i32>} : memref<512xf32, #tpu.memory_space<vmem>>, vector<16xf32>,
      tpu.vector_store %arg7[%swap3A], %div3A_834 {strides = array<i32>} : memref<512xf32, #tpu.memory_space<vmem>>, vector<16xf32>,
    }
    %scan3A_165 = arith.constant 32 : i32
    %mul3A_166 = arith.constant 512 : i32
    %mul3A_167 = arith.muli %add3A, %mul3A_166 : i32
    "tpu.region"() ({
      %run_scoped3A = tpu.sem_alloc : memref<!tpu.dma_semaphore, #tpu.memory_space<semaphore_mem>>
      %dma_start3A_168 = tpu.memref_slice %arg4[%mul3A_167] : memref<16384xf32, #tpu.memory_space<hbm>> -> memref<512xf32, #tpu.memory_space<hbm>>
      %dma_start3A_169 = tpu.memref_slice %arg4[%mul3A_167] : memref<16384xf32, #tpu.memory_space<hbm>> -> memref<512xf32, #tpu.memory_space<hbm>>
      tpu.enqueue_dma source(%arg7 : memref<512xf32, #tpu.memory_space<vmem>>) target(%dma_start3A_169 : memref<512xf32, #tpu.memory_space<hbm>>) target_semaphore(%run_scoped3A : memref<!tpu.dma_semaphore, #tpu.memory_space<semaphore_mem>>)
      %dma_wait3A_170 = tpu.memref_slice %arg4[%mul3A_167] : memref<16384xf32, #tpu.memory_space<hbm>> -> memref<512xf32, #tpu.memory_space<hbm>>
      %dma_wait3A_171 = tpu.memref_slice %arg4[%mul3A_167] : memref<16384xf32, #tpu.memory_space<hbm>> -> memref<512xf32, #tpu.memory_space<hbm>>
      tpu.wait_dma2 semaphore(%run_scoped3A : memref<!tpu.dma_semaphore, #tpu.memory_space<semaphore_mem>>) src(%arg7 : memref<512xf32, #tpu.memory_space<vmem>>) dst(%dma_wait3A_171 : memref<512xf32, #tpu.memory_space<hbm>>)
      tpu.yield
    }) : () -> ()
    return
  }
}

</mosaic_0001>

<sc_bundles>
// kernel: _decoder.3.cloned.1.call-start
scs
__scs_entry_jumppad:
0x0: {  	(pc) =	sbr.rel $0x88, $3  }
0x1: {  	(tag) =	ssettag $0x0;
	lr =	simm.s32 $0x1  }
0x2: {  	[smem:$0x3F9F] =	sst lr;
	_ =	strace $0xD0000000  }
0x3: {  	_ = 	snop  }
0x4: {  	_ = 	snop  }
0x5: {  	_ = 	snop  }
0x6: {  	_ = 	snop  }
0x7: {  	_ = 	snop  }
__scs_overlays_trampoline_lowered:
0x8: {  	[smem:$0x3FAE] =	sst s0  }
0x9: {  	[smem:$0x3FAF] =	sst s1  }
0xa: {  	[smem:$0x3FB0] =	sst s2  }
0xb: {  	[smem:$0x3FB1] =	sst s3  }
0xc: {  	[smem:$0x3FB2] =	sst s4  }
0xd: {  	[smem:$0x3FB3] =	sst s5  }
0xe: {  	[smem:$0x3FB4] =	sst s6  }
0xf: {  	[smem:$0x3FB5] =	sst s7  }
0x10: {  	[smem:$0x3FB6] =	sst s8  }
0x11: {  	[smem:$0x3FB7] =	sst s9;
	s0 =	simm.s32 @!p0 $0x0  }
0x12: {  	s1 =	sld [smem:$0x3F9D];
	s0 =	simm.s32 @p0 $0x1  }
0x13: {  	[smem:$0x3FB8] =	sst s0;
	s0 =	simm.s32 @!p1 $0x0  }
0x14: {  	s2 =	sld [smem:$0x3F9C];
	s0 =	simm.s32 @p1 $0x1  }
0x15: {  	[smem:$0x3FB9] =	sst s0;
	s0 =	simm.s32 @!p2 $0x0  }
0x16: {  	s3 =	sld [smem:$0x3FDB];
	s0 =	simm.s32 @p2 $0x1  }
0x17: {  	s4 =	simm.s32 $0x1BF5;
	[smem:$0x3FBB] =	sst s0  }
0x18: {  	s0 =	sld [smem:$0x3F9E];
	_ =	swait.ge [sflag:s4], $0x0  }
0x19: {  	s7 =	sld [smem:$0x3F9F]  }
0x1a: {  	s8 =	sadd.s32 $0xFFFFE003, lr  }
0x1b: {  	s9 =	sadd.s32 $0xFFFFFEF7, lr;
	s5 =	simm.s32 $0xFFFFFFFF;
	p2 =	slt.u32 s8, $0xFFFFF086  }
0x1c: {  	p1 =	slt.u32 s9, $0xF7A;
	s5 =	simm.s32 @!p2 $0x0  }
0x1d: {  	s5 =	simm.s32 @p1 $0x1;
	p0 =	seq.s32 s7, s2  }
0x1e: {  	s7 =	smul.u32 @!p0 $0xF7A, s2;
	p2 =	seq.s32 @!p0 s5, $0x0  }
0x1f: {  	s9 =	smul.u32 $0xF7A, s1;
	s8 =	simm.s32 @!p0 $0x1BF5;
	p2 =	por !p2, p0  }
0x20: {  	[sflag:s8] =	ssyncset.s32 @!p0 $0xFFFFF086;
	s6 =	sadd.s32 @!p0 s3, s7;
	s7 =	simm.s32 @!p0 $0x108  }
0x21: {  	s3 =	sadd.s32 s3, s9;
	s6 =	sadd.s32 @!p0 $0x88, s6;
	s7 =	simm.s32 @p2 $0x1082  }
0x22: {  	[simem:s7], [sflag:s8] =	dma.local @!p0 [hbm:s6], $0xF7A  }
0x23: {  	s9 =	sor.u32 $0xD0000000, s2;
	s6 =	simm.s32 $0x108;
	_ =	swait.ge @!p0 [sflag:s8], $0x0  }
0x24: {  	s3 =	sadd.s32 $0x88, s3;
	s6 =	simm.s32 @!p1 $0x1082;
	[sflag:s4] =	ssyncset.s32 $0xFFFFF086  }
0x25: {  	[simem:s6], [sflag:s4] =	dma.local [hbm:s3], $0xF7A  }
0x26: {  	[smem:$0x3F9F] =	sst s1;
	(tag) =	ssettag s2;
	_ =	strace s9  }
0x27: {  	s1 =	sld [smem:$0x3FAF]  }
0x28: {  	s2 =	sld [smem:$0x3FB0]  }
0x29: {  	s4 =	sld [smem:$0x3FB2]  }
0x2a: {  	p0 =	seq.s32 s5, $0x0;
	s5 =	sld [smem:$0x3FB3]  }
0x2b: {  	s6 =	sld [smem:$0x3FB4]  }
0x2c: {  	s7 =	sld [smem:$0x3FB5]  }
0x2d: {  	s3 =	simm.s32 $0x108;
	s8 =	sld [smem:$0x3FB6]  }
0x2e: {  	s3 =	simm.s32 @!p0 $0x1082;
	s9 =	sld [smem:$0x3FB7]  }
0x2f: {  	lr =	sadd.s32 s0, s3;
	s0 =	sld [smem:$0x3FAE]  }
0x30: {  	s3 =	sld [smem:$0x3FB1]  }
0x31: {  	[smem:$0x3FBA] =	sst s10  }
0x32: {  	s10 =	sld [smem:$0x3FB8];
	_ =	sdelay $0x3  }
0x33: {  	p0 =	seq.s32 s10, $0x1;
	s10 =	sld [smem:$0x3FBA];
	_ =	sdelay $0x3  }
0x34: {  	[smem:$0x3FBA] =	sst s10  }
0x35: {  	s10 =	sld [smem:$0x3FB9];
	_ =	sdelay $0x3  }
0x36: {  	p1 =	seq.s32 s10, $0x1;
	s10 =	sld [smem:$0x3FBA];
	_ =	sdelay $0x3  }
0x37: {  	[smem:$0x3FBA] =	sst s10  }
0x38: {  	s10 =	sld [smem:$0x3FBB]  }
0x39: {  	_ = 	snop;
	(pc) =	sbr.ind lr, $3  }
0x3a: {  	_ = 	snop  }
0x3b: {  	_ = 	snop  }
0x3c: {  	p2 =	seq.s32 s10, $0x1;
	s10 =	sld [smem:$0x3FBA]  }
0x3d: {  	_ =	shalt  }
0x3e: {  	_ =	shalt  }
0x3f: {  	_ =	shalt  }
0x40: {  	_ =	shalt  }
0x41: {  	_ =	shalt  }
0x42: {  	_ =	shalt  }
0x43: {  	_ =	shalt  }
0x44: {  	_ =	shalt  }
0x45: {  	_ =	shalt  }
0x46: {  	_ =	shalt  }
0x47: {  	_ =	shalt  }
0x48: {  	_ =	shalt  }
0x49: {  	_ =	shalt  }
0x4a: {  	_ =	shalt  }
0x4b: {  	_ =	shalt  }
0x4c: {  	_ =	shalt  }
0x4d: {  	_ =	shalt  }
0x4e: {  	_ =	shalt  }
0x4f: {  	_ =	shalt  }
0x50: {  	_ =	shalt  }
0x51: {  	_ =	shalt  }
0x52: {  	_ =	shalt  }
0x53: {  	_ =	shalt  }
0x54: {  	_ =	shalt  }
0x55: {  	_ =	shalt  }
0x56: {  	_ =	shalt  }
0x57: {  	_ =	shalt  }
0x58: {  	_ =	shalt  }
0x59: {  	_ =	shalt  }
0x5a: {  	_ =	shalt  }
0x5b: {  	_ =	shalt  }
0x5c: {  	_ =	shalt  }
0x5d: {  	_ =	shalt  }
0x5e: {  	_ =	shalt  }
0x5f: {  	_ =	shalt  }
0x60: {  	_ =	shalt  }
0x61: {  	_ =	shalt  }
0x62: {  	_ =	shalt  }
0x63: {  	_ =	shalt  }
0x64: {  	_ =	shalt  }
0x65: {  	_ =	shalt  }
0x66: {  	_ =	shalt  }
0x67: {  	_ =	shalt  }
0x68: {  	_ =	shalt  }
0x69: {  	_ =	shalt  }
0x6a: {  	_ =	shalt  }
0x6b: {  	_ =	shalt  }
0x6c: {  	_ =	shalt  }
0x6d: {  	_ =	shalt  }
0x6e: {  	_ =	shalt  }
0x6f: {  	_ =	shalt  }
0x70: {  	_ =	shalt  }
0x71: {  	_ =	shalt  }
0x72: {  	_ =	shalt  }
0x73: {  	_ =	shalt  }
0x74: {  	_ =	shalt  }
0x75: {  	_ =	shalt  }
0x76: {  	_ =	shalt  }
0x77: {  	_ =	shalt  }
0x78: {  	_ =	shalt  }
0x79: {  	_ =	shalt  }
0x7a: {  	_ =	shalt  }
0x7b: {  	_ =	shalt  }
0x7c: {  	_ =	shalt  }
0x7d: {  	_ =	shalt  }
0x7e: {  	_ =	shalt  }
0x7f: {  	_ =	shalt  }
0x80: {  	_ =	shalt  }
0x81: {  	_ =	shalt  }
0x82: {  	_ =	shalt  }
0x83: {  	_ =	shalt  }
0x84: {  	_ =	shalt  }
0x85: {  	_ =	shalt  }
0x86: {  	_ =	shalt  }
0x87: {  	_ =	shalt  }
.Lfunc_end0:
.L_simem_size_0:
called_computation_lowered:
.L_overlay_start_0:
0x88: {  	s2 =	sld [smem:$0x3FD9]  }
0x89: {  	s3 =	sld [smem:$0x3FFE];
	_ =	sdelay $0x1  }
0x8a: {  	s1 =	srdreg.scid  }
0x8b: {  	s0 =	sand.u32 $0x1, s1  }
0x8c: {  	s17 =	sshll.u32 s0, $0xA;
	s2 =	sadd.s32 s3, s2  }
0x8d: {  	s2 =	sadd.s32 s2, s17  }
0x8e: {  	[smem:$0x3FC6] =	sst s2  }
0x8f: {  	_ = 	snop  }
0x90: {  	s2 =	sld [smem:$0x3FC9]  }
0x91: {  	s18 =	sld [smem:$0x3FD0];
	(tm) =	ssettm $0x1  }
0x92: {  	s4 =	sld [smem:$0x3FFB];
	_ =	sdelay $0x3  }
0x93: {  	_ =	strace s4  }
0x94: {  	s4 =	sld [smem:$0x3FFC];
	_ =	sdelay $0x3  }
0x95: {  	_ =	strace s4  }
0x96: {  	s4 =	sld [smem:$0x3FFD];
	_ =	sdelay $0x3  }
0x97: {  	_ =	strace s4  }
0x98: {  	_ =	strace $0x8FFFFFFF  }
0x99: {  	s19 =	sld [smem:$0x3FDB];
	_ =	sdelay $0x1  }
0x9a: {  	s5 =	simm.s32 $_scs_section_size  }
0x9b: {  	s6 =	simm.s32 $_size__tile_overlayer_lowered;
	s7 =	simm.s32 $_tile_overlayer_lowered  }
0x9c: {  	s22 =	simm.s32 $0x1BFF;
	s21 =	sshll.u32 s7, $0x1;
	s4 =	sadd.s32 s5, s19  }
0x9d: {  	s8 =	simm.s32 $0x0;
	s20 =	sshll.u32 s6, $0x1;
	s6 =	sadd.s32 s21, s4  }
0x9e: {  	[timem:s8], [sflag:s22] =	dma.local [hbm:s6], s20  }
0x9f: {  	_ =	swait.ge [sflag:s22], s20  }
0xa0: {  	s5 =	ssub.s32 $0x0, s20;
	[sflag:s22] =	ssyncset.done $0x0  }
0xa1: {  	[sflag:s22] =	ssyncadd.s32 s5;
	_ =	sdelay $0x1  }
0xa2: {  	s23 =	simm.s32 $0x1B8B  }
0xa3: {  	_ =	swait.ge [sflag:s23], $0x1  }
0xa4: {  	[sflag:s23] =	ssyncset.done $0x0  }
0xa5: {  	s25 =	simm.s32 $0x1B8E;
	s24 =	sld [smem:$0x3FFE];
	[sflag:s23] =	ssyncadd.s32 $0xFFFFFFFF  }
0xa6: {  	s26 =	simm.s32 $execute0_lowered;
	[smem:$0x3FD2] =	sst s25  }
0xa7: {  	s6 =	sshll.u32 s26, $0x1;
	_ =	strace $0x80000046;
	[dreg:$0x1] =	wrdreg $0xFFFFFFFF  }
0xa8: {  	s28 =	simm.s32 $_size_execute0_lowered;
	s4 =	sadd.s32 s4, s6;
	[dreg:$0x0] =	wrdreg $0x0  }
0xa9: {  	s6 =	sshll.u32 s28, $0x1;
	[dreg:$0x2] =	wrdreg s4  }
0xaa: {  	[dreg:$0x3] =	wrdreg s6  }
0xab: {  	[dreg:$0x4] =	wrdreg $0xC0  }
0xac: {  	_ =	task [dreg:s8], $0x5FFFF  }
0xad: {  	[dreg:$0x1] =	wrdreg $0xFFFFFFFF  }
0xae: {  	[dreg:$0x0] =	wrdreg $0x60  }
0xaf: {  	[dreg:$0x2] =	wrdreg s2  }
0xb0: {  	[dreg:$0x3] =	wrdreg s24  }
0xb1: {  	[dreg:$0x4] =	wrdreg s18  }
0xb2: {  	[dreg:$0x5] =	wrdreg $0x9  }
0xb3: {  	_ =	task.clear_ibuf [dreg:s8], $0x6FFFF;
	_ =	strace $0x90000046  }
0xb4: {  	s29 =	simm.s32 $0x9;
	_ =	strace $0x80000048  }
0xb5: {  	_ =	swait.ge [sflag:s29], $0x1  }
0xb6: {  	[sflag:s29] =	ssyncadd.s32 $0xFFFFFFFF  }
0xb7: {  	_ =	strace $0x90000048  }
0xb8: {  	_ =	sfence  }
0xb9: {  	s30 =	sld [smem:$0x0];
	_ =	sdelay $0x2  }
0xba: {  	s31 =	sshll.u32 s1, $0xD;
	s1 =	sshrl.u32 s1, $0x2  }
0xbb: {  	s3 =	sand.u32 $0x4000, s31;
	s1 =	sadd.s32 s1, s30  }
0xbc: {  	s0 =	sor.u32 s3, s0;
	s1 =	sshll.u32 s1, $0x11  }
0xbd: {  	s0 =	sor.u32 s1, s0  }
0xbe: {  	s0 =	sadd.s32 $0x8F2B, s0  }
0xbf: {  	[sflag:s0] =	ssyncadd.remote.s32 $0x1  }
0xc0: {  	_ =	sfence.sel $0xFFFF  }
0xc1: {  	[dreg:$0x0] =	wrdreg $0xFFFFFFFF;
	(pc) =	sbr.abs _section_cstart, $3  }
0xc2: {  	[dreg:$0x1] =	wrdreg $0xFFFFFFFF  }
0xc3: {  	_ =	task.clear_ibuf [dreg:s8], $0x2FFFF;
	_ =	strace $0x9FFFFFFF  }
0xc4: {  	(tm) =	ssettm $0x7FFFFFFF  }
0xc5: {  	_ =	shalt  }
tec
execute0_lowered:
.L_overlay_start_1:
0x0: {  	(tag) =	ssettag $0x1  }
0x1: {  	s4 =	rddreg [dreg:$0x0]  }
0x2: {  	s3 =	rddreg [dreg:$0x1]  }
0x3: {  	s5 =	rddreg [dreg:$0x2]  }
0x4: {  	s0 =	rddreg [dreg:$0x3]  }
0x5: {  	s2 =	simm.s32 $0x0;
	s6 =	srdreg.scid;
	s1 =	stileid.u32  }
0x6: {  	s10 =	simm.s32 $0xC00;
	s11 =	simm.s32 $0x100;
	s12 =	simm.s32 $0x1400  }
0x7: {  	s13 =	simm.s32 $0x180;
	s14 =	simm.s32 $0x1C00;
	s15 =	simm.s32 $0x200  }
0x8: {  	s16 =	simm.s32 $0x2400;
	s17 =	simm.s32 $0x280;
	s18 =	simm.s32 $0x2C00  }
0x9: {  	s19 =	simm.s32 $0x300;
	s20 =	simm.s32 $0x3400;
	s21 =	simm.s32 $0x380  }
0xa: {  	s22 =	simm.s32 $0x3C00;
	s23 =	simm.s32 $0x1;
	s24 =	simm.s32 $0x4400  }
0xb: {  	s25 =	simm.s32 $0x0;
	[smem:$0x7FF] =	sst s2;
	s6 =	sand.u32 $0x1, s6  }
0xc: {  	vm0 =	vmmov $0x1;
	vm1 =	vmmov $0x3;
	vm2 =	vmmov $0x7;
	s7 =	sshll.u32 s1, $0x1;
	s3 =	sadd.s32 $0xF42800, s3;
	s8 =	ssub.s32 $0x2, s6  }
0xd: {  	vm3 =	vmmov $0xf;
	vm4 =	vmmov $0x1f;
	vm5 =	vmmov $0x3f;
	_ =	strace $0x80000047;
	s6 =	sor.u32 s6, s7;
	s31 =	sshrl.u32 s8, $0x1  }
0xe: {  	vm6 =	vmmov $0x7f;
	vm7 =	vmmov $0xff;
	vm8 =	vmmov $0x1ff;
	s9 =	sshll.u32 s6, $0x7;
	s6 =	sshll.u32 s6, $0x6;
	s7 =	ssub.s32 s8, s31  }
0xf: {  	vm9 =	vmmov $0x3ff;
	vm10 =	vmmov $0x7ff;
	vm11 =	vmmov $0xfff;
	s4 =	sadd.s32 s4, s9;
	s5 =	sadd.s32 s5, s6;
	s8 =	simm.s32 $0x80  }
0x10: {  	vm12 =	vmmov $0x1fff;
	vm13 =	vmmov $0x3fff;
	vm14 =	vmmov $0x7fff;
	s9 =	simm.s32 $0x400;
	s6 =	smax.u32 s7, $0x1;
	s7 =	simm.s32 $0x2  }
.LBB2_1:
0x11: {  	[tilespmem:s2], [sflag:$0x2] =	stream.linear.gather [hbm4b:s4+s2], $0x400, $0x38;
	[tilespmem:$0x4600] =	vst v63  }
0x12: {  	_ =	swait.ge [sflag:s7], $0x400  }
0x13: {  	[sflag:s7] =	ssyncset.done $0x0  }
0x14: {  	[sflag:s7] =	ssyncadd.s32 $0xFFFFFC00  }
0x15: {  	[tilespmem:s9], [sflag:$0x1] =	stream.indirect.gather [hbm4b:s3+s8], $0x10, s2, s8, $0xb8;
	[tilespmem:$0x4600] =	vst v63  }
0x16: {  	_ = 	snop  }
0x17: {  	[tilespmem:s10], [sflag:$0x1] =	stream.indirect.gather [hbm4b:s3+s8], $0x10, s8, s8, $0xb8;
	[tilespmem:$0x4600] =	vst v63  }
0x18: {  	_ = 	snop  }
0x19: {  	[tilespmem:s12], [sflag:$0x1] =	stream.indirect.gather [hbm4b:s3+s8], $0x10, s11, s8, $0xb8;
	[tilespmem:$0x4600] =	vst v63  }
0x1a: {  	_ = 	snop  }
0x1b: {  	[tilespmem:s14], [sflag:$0x1] =	stream.indirect.gather [hbm4b:s3+s8], $0x10, s13, s8, $0xb8;
	[tilespmem:$0x4600] =	vst v63  }
0x1c: {  	_ = 	snop  }
0x1d: {  	[tilespmem:s16], [sflag:$0x1] =	stream.indirect.gather [hbm4b:s3+s8], $0x10, s15, s8, $0xb8;
	[tilespmem:$0x4600] =	vst v63  }
0x1e: {  	_ = 	snop  }
0x1f: {  	[tilespmem:s18], [sflag:$0x1] =	stream.indirect.gather [hbm4b:s3+s8], $0x10, s17, s8, $0xb8;
	[tilespmem:$0x4600] =	vst v63  }
0x20: {  	_ = 	snop  }
0x21: {  	[tilespmem:s20], [sflag:$0x1] =	stream.indirect.gather [hbm4b:s3+s8], $0x10, s19, s8, $0xb8;
	[tilespmem:$0x4600] =	vst v63  }
0x22: {  	_ = 	snop  }
0x23: {  	[tilespmem:s22], [sflag:$0x1] =	stream.indirect.gather [hbm4b:s3+s8], $0x10, s21, s8, $0xb8;
	[tilespmem:$0x4600] =	vst v63  }
0x24: {  	_ =	swait.ge [sflag:s23], $0x800  }
0x25: {  	[sflag:s23] =	ssyncset.done $0x0  }
0x26: {  	[sflag:s23] =	ssyncadd.s32 $0xFFFFF800  }
0x27: {  	_ =	swait.ge [sflag:s23], $0x800  }
0x28: {  	[sflag:s23] =	ssyncset.done $0x0  }
0x29: {  	[sflag:s23] =	ssyncadd.s32 $0xFFFFF800  }
0x2a: {  	_ =	swait.ge [sflag:s23], $0x800  }
0x2b: {  	[sflag:s23] =	ssyncset.done $0x0  }
0x2c: {  	[sflag:s23] =	ssyncadd.s32 $0xFFFFF800  }
0x2d: {  	_ =	swait.ge [sflag:s23], $0x800  }
0x2e: {  	[sflag:s23] =	ssyncset.done $0x0  }
0x2f: {  	[sflag:s23] =	ssyncadd.s32 $0xFFFFF800  }
0x30: {  	_ =	swait.ge [sflag:s23], $0x800  }
0x31: {  	[sflag:s23] =	ssyncset.done $0x0  }
0x32: {  	[sflag:s23] =	ssyncadd.s32 $0xFFFFF800  }
0x33: {  	_ =	swait.ge [sflag:s23], $0x800  }
0x34: {  	[sflag:s23] =	ssyncset.done $0x0  }
0x35: {  	[sflag:s23] =	ssyncadd.s32 $0xFFFFF800  }
0x36: {  	_ =	swait.ge [sflag:s23], $0x800  }
0x37: {  	[sflag:s23] =	ssyncset.done $0x0  }
0x38: {  	[sflag:s23] =	ssyncadd.s32 $0xFFFFF800  }
0x39: {  	_ =	swait.ge [sflag:s23], $0x800  }
0x3a: {  	[sflag:s23] =	ssyncset.done $0x0  }
0x3b: {  	s26 =	simm.s32 $0x500;
	s28 =	simm.s32 $0x0;
	[sflag:s23] =	ssyncadd.s32 $0xFFFFF800  }
.LBB2_2:
0x3c: {  	v0 =	vld [tilespmem:s26+$0xFFFFFF00]  }
0x3d: {  	v1 =	vld [tilespmem:s26+$0xFFFFFF10];
	_ =	sdelay $0x1  }
0x3e: {  	v2 =	vld [tilespmem:s26+$0xFFFFFF20]  }
0x3f: {  	v3 =	vld [tilespmem:s26+$0xFFFFFF30]  }
0x40: {  	v4 =	vmul.f32 v0, v0  }
0x41: {  	v6 =	vld [tilespmem:s26+$0xFFFFFF40];
	v5 =	vmul.f32 v1, v1  }
0x42: {  	v13 =	vld [tilespmem:s26+$0xFFFFFF50];
	v0 =	vmul.f32 v1, v0;
	(xrf2) =	vadd.scan.msk.f32 $0xffff, v4  }
0x43: {  	v14 =	vmul.f32 v2, v2;
	(xrf2) =	vadd.scan.msk.f32 $0xffff, v5  }
0x44: {  	v16 =	vld [tilespmem:s26+$0xFFFFFF60];
	v15 =	vmul.f32 v3, v3;
	(xrf2) =	vadd.scan.msk.f32 $0xffff, v0  }
0x45: {  	v17 =	vld [tilespmem:s26+$0xFFFFFF70];
	v2 =	vmul.f32 v3, v2;
	(xrf2) =	vadd.scan.msk.f32 $0xffff, v14  }
0x46: {  	v18 =	vmul.f32 v6, v6;
	(xrf2) =	vadd.scan.msk.f32 $0xffff, v15  }
0x47: {  	v20 =	vld [tilespmem:s26+$0xFFFFFF80];
	v19 =	vmul.f32 v13, v13;
	(xrf2) =	vadd.scan.msk.f32 $0xffff, v2  }
0x48: {  	v22 =	vld [tilespmem:s26+$0xFFFFFF90];
	v21 =	vmul.f32 v13, v6;
	(xrf2) =	vadd.scan.msk.f32 $0xffff, v18  }
0x49: {  	v23 =	vmul.f32 v16, v16;
	(xrf2) =	vadd.scan.msk.f32 $0xffff, v19  }
0x4a: {  	v25 =	vld [tilespmem:s26+$0xFFFFFFA0];
	v24 =	vmul.f32 v17, v17;
	(xrf2) =	vadd.scan.msk.f32 $0xffff, v21  }
0x4b: {  	v27 =	vld [tilespmem:s26+$0xFFFFFFB0];
	v26 =	vmul.f32 v17, v16;
	(xrf2) =	vadd.scan.msk.f32 $0xffff, v23  }
0x4c: {  	v28 =	vmul.f32 v20, v20;
	v7, _, _ =	vpop (xrf2);
	(xrf2) =	vadd.scan.msk.f32 $0xffff, v24  }
0x4d: {  	v9 =	vld [tilespmem:s26+$0xFFFFFFC0];
	v29 =	vmul.f32 v22, v22;
	v1 =	vmul.f32 v22, v20;
	v8, _, _ =	vpop (xrf2);
	(xrf2) =	vadd.scan.msk.f32 $0xffff, v26  }
0x4e: {  	v30 =	vld [tilespmem:s26+$0xFFFFFFD0];
	v0, _, _ =	vpop (xrf2);
	(xrf2) =	vadd.scan.msk.f32 $0xffff, v28  }
0x4f: {  	v31 =	vmul.f32 v25, v25;
	v10, _, _ =	vpop (xrf2);
	(xrf2) =	vadd.scan.msk.f32 $0xffff, v29  }
0x50: {  	v12 =	vld [tilespmem:s26+$0xFFFFFFE0];
	v32 =	vmul.f32 v27, v27;
	v11, _, _ =	vpop (xrf2);
	(xrf2) =	vadd.scan.msk.f32 $0xffff, v1  }
0x51: {  	v34 =	vld [tilespmem:s26+$0xFFFFFFF0];
	v33 =	vmul.f32 v27, v25;
	v1, _, _ =	vpop (xrf2);
	(xrf2) =	vadd.scan.msk.f32 $0xffff, v31  }
0x52: {  	v35 =	vmul.f32 v9, v9;
	v13, _, _ =	vpop (xrf2);
	(xrf2) =	vadd.scan.msk.f32 $0xffff, v32  }
0x53: {  	v36 =	vmul.f32 v30, v30;
	v15 =	vld [tilespmem:s26+$0x0];
	v14, _, _ =	vpop (xrf2);
	(xrf2) =	vadd.scan.msk.f32 $0xffff, v33  }
0x54: {  	v38 =	vld [tilespmem:s26+$0x10];
	v37 =	vmul.f32 v30, v9;
	v2, _, _ =	vpop (xrf2);
	(xrf2) =	vadd.scan.msk.f32 $0xffff, v35  }
0x55: {  	v39 =	vmul.f32 v12, v12;
	v16, _, _ =	vpop (xrf2);
	(xrf2) =	vadd.scan.msk.f32 $0xffff, v36  }
0x56: {  	v40 =	vmul.f32 v34, v34;
	v18 =	vld [tilespmem:s26+$0x20];
	v17, _, _ =	vpop (xrf2);
	(xrf2) =	vadd.scan.msk.f32 $0xffff, v37  }
0x57: {  	v42 =	vld [tilespmem:s26+$0x30];
	v41 =	vmul.f32 v34, v12;
	v3, _, _ =	vpop (xrf2);
	(xrf2) =	vadd.scan.msk.f32 $0xffff, v39  }
0x58: {  	v46 =	vld [tilespmem:s26+$0x50];
	v44 =	vmul.f32 v15, v15;
	v43, _, _ =	vpop (xrf2);
	(xrf2) =	vadd.scan.msk.f32 $0xffff, v40  }
0x59: {  	v20 =	vmul.f32 v38, v38;
	v21 =	vld [tilespmem:s26+$0x40];
	v19, _, _ =	vpop (xrf2);
	(xrf2) =	vadd.scan.msk.f32 $0xffff, v41  }
0x5a: {  	v49 =	vld [tilespmem:s26+$0x70];
	v45 =	vmul.f32 v38, v15;
	v4, _, _ =	vpop (xrf2);
	(xrf2) =	vadd.scan.msk.f32 $0xffff, v44  }
0x5b: {  	v52 =	vld [tilespmem:s26+$0x90];
	v48 =	vmul.f32 v18, v18;
	v47, _, _ =	vpop (xrf2);
	(xrf2) =	vadd.scan.msk.f32 $0xffff, v20  }
0x5c: {  	v23 =	vmul.f32 v42, v42;
	v24 =	vld [tilespmem:s26+$0x60];
	v6 =	vmul.f32 v42, v18;
	v22, _, _ =	vpop (xrf2);
	(xrf2) =	vadd.scan.msk.f32 $0xffff, v45  }
0x5d: {  	v56 =	vld [tilespmem:s26+$0xA0];
	v5, _, _ =	vpop (xrf2);
	(xrf2) =	vadd.scan.msk.f32 $0xffff, v48  }
0x5e: {  	v51 =	vmul.f32 v21, v21;
	v50, _, _ =	vpop (xrf2);
	(xrf2) =	vadd.scan.msk.f32 $0xffff, v23  }
0x5f: {  	v27 =	vld [tilespmem:s26+$0x80];
	v26 =	vmul.f32 v46, v46;
	v25, _, _ =	vpop (xrf2);
	(xrf2) =	vadd.scan.msk.f32 $0xffff, v6  }
0x60: {  	v55 =	vmul.f32 v49, v49;
	v9 =	vmul.f32 v46, v21;
	v6, _, _ =	vpop (xrf2);
	(xrf2) =	vadd.scan.msk.f32 $0xffff, v51  }
0x61: {  	v59 =	vmul.f32 v52, v52;
	v54 =	vmul.f32 v24, v24;
	v28, _, _ =	vpop (xrf2);
	(xrf2) =	vadd.scan.msk.f32 $0xffff, v26  }
0x62: {  	v57 =	vld [tilespmem:s26+$0xB0];
	v62 =	vmul.f32 v56, v56;
	v53 =	vbroadcast v7, $0xF;
	v30, _, _ =	vpop (xrf2);
	(xrf2) =	vadd.scan.msk.f32 $0xffff, v9  }
0x63: {  	v29 =	vbroadcast v8, $0xF;
	v18 =	vmul.f32 v49, v24;
	v7, _, _ =	vpop (xrf2);
	(xrf2) =	vadd.scan.msk.f32 $0xffff, v54  }
0x64: {  	v60 =	vld [tilespmem:s26+$0xD0];
	v10 =	vbroadcast v10, $0xF;
	v31 =	vmul.f32 v27, v27;
	v58, _, _ =	vpop (xrf2);
	(xrf2) =	vadd.scan.msk.f32 $0xffff, v55  }
0x65: {  	v11 =	vbroadcast v11, $0xF;
	v33 =	vld [tilespmem:s26+$0xC0];
	v14 =	vbroadcast v14, $0xF;
	v32, _, _ =	vpop (xrf2);
	(xrf2) =	vadd.scan.msk.f32 $0xffff, v18  }
0x66: {  	v21 =	vmul.f32 v52, v27;
	v13 =	vbroadcast v13, $0xF;
	v8, _, _ =	vpop (xrf2);
	(xrf2) =	vadd.scan.msk.f32 $0xffff, v31  }
0x67: {  	v10 =	vsel vm0, v53, v10;
	v11 =	vsel vm0, v29, v11;
	v29 =	vld [tilespmem:s26+$0xE0];
	v35 =	vmul.f32 v57, v57;
	v61, _, _ =	vpop (xrf2);
	(xrf2) =	vadd.scan.msk.f32 $0xffff, v59  }
0x68: {  	v10 =	vsel vm1, v10, v13;
	v16 =	vbroadcast v16, $0xF;
	v12 =	vbroadcast v43, $0xF;
	v34, _, _ =	vpop (xrf2);
	(xrf2) =	vadd.scan.msk.f32 $0xffff, v21  }
0x69: {  	v11 =	vsel vm1, v11, v14;
	v63 =	vbroadcast v17, $0xF;
	v9 =	vmul.f32 v57, v56;
	v14, _, _ =	vpop (xrf2);
	(xrf2) =	vadd.scan.msk.f32 $0xffff, v62  }
0x6a: {  	v10 =	vsel vm2, v10, v16;
	v38 =	vmul.f32 v33, v33;
	v40 =	vmul.f32 v60, v33;
	v21 =	vld [tilespmem:s26+$0xF0];
	v37, _, _ =	vpop (xrf2);
	(xrf2) =	vadd.scan.msk.f32 $0xffff, v35  }
0x6b: {  	v11 =	vsel vm2, v11, v63;
	v36 =	vbroadcast v19, $0xF;
	v23 =	vmul.f32 v60, v60;
	v39, _, _ =	vpop (xrf2);
	(xrf2) =	vadd.scan.msk.f32 $0xffff, v9  }
0x6c: {  	v44 =	vmul.f32 v29, v29;
	v10 =	vsel vm3, v10, v12;
	v15 =	vbroadcast v47, $0xF;
	v12, _, _ =	vpop (xrf2);
	(xrf2) =	vadd.scan.msk.f32 $0xffff, v38  }
0x6d: {  	v11 =	vsel vm3, v11, v36;
	v41 =	vbroadcast v22, $0xF;
	v42 =	vbroadcast v50, $0xF;
	v43, _, _ =	vpop (xrf2);
	(xrf2) =	vadd.scan.msk.f32 $0xffff, v23  }
0x6e: {  	v10 =	vsel vm4, v10, v15;
	v45 =	vbroadcast v25, $0xF;
	v46 =	vbroadcast v28, $0xF;
	v47, _, _ =	vpop (xrf2);
	(xrf2) =	vadd.scan.msk.f32 $0xffff, v40  }
0x6f: {  	v10 =	vsel vm5, v10, v42;
	v52 =	vbroadcast v58, $0xF;
	v50 =	vmul.f32 v21, v21;
	v19, _, _ =	vpop (xrf2);
	(xrf2) =	vadd.scan.msk.f32 $0xffff, v44  }
0x70: {  	v48 =	vsel vm4, v11, v41;
	v49 =	vbroadcast v30, $0xF;
	v10 =	vsel vm6, v10, v46;
	v51, _, _ =	vpop (xrf2)  }
0x71: {  	v53 =	vbroadcast v32, $0xF;
	v10 =	vsel vm7, v10, v52;
	v9 =	vsel vm5, v48, v45;
	(xrf2) =	vadd.scan.msk.f32 $0xffff, v50;
	v54, _, _ =	vpop (xrf2)  }
0x72: {  	v55 =	vbroadcast v61, $0xF;
	v17 =	vbroadcast v34, $0xF;
	v9 =	vsel vm6, v9, v49;
	v22, _, _ =	vpop (xrf2)  }
0x73: {  	v57 =	vbroadcast v37, $0xF;
	v13 =	vbroadcast v39, $0xF;
	v9 =	vsel vm7, v9, v53;
	v56, _, _ =	vpop (xrf2)  }
0x74: {  	v10 =	vsel vm8, v10, v55;
	v9 =	vsel vm8, v9, v17;
	v59 =	vbroadcast v43, $0xF;
	v58, _, _ =	vpop (xrf2)  }
0x75: {  	v10 =	vsel vm9, v10, v57;
	v9 =	vsel vm9, v9, v13;
	v61 =	vbroadcast v51, $0xF;
	v60, _, _ =	vpop (xrf2)  }
0x76: {  	v63 =	vbroadcast v47, $0xF;
	v10 =	vsel vm10, v10, v59;
	v24 =	vbroadcast v56, $0xF;
	v62, _, _ =	vpop (xrf2)  }
0x77: {  	v26 =	vbroadcast v54, $0xF;
	v10 =	vsel vm11, v10, v61;
	v25, _, _ =	vpop (xrf2);
	v13 =	vbroadcast v62, $0xF  }
0x78: {  	v9 =	vsel vm10, v9, v63;
	v28 =	vbroadcast v58, $0xF;
	v10 =	vsel vm12, v10, v24;
	v27, _, _ =	vpop (xrf2)  }
0x79: {  	v9 =	vsel vm11, v9, v26;
	v31 =	vbroadcast v25, $0xF;
	v30, _, _ =	vpop (xrf2);
	v10 =	vsel vm13, v10, v13  }
0x7a: {  	v9 =	vsel vm12, v9, v28;
	v10 =	vsel vm14, v10, v30  }
0x7b: {  	v9 =	vsel vm13, v9, v31;
	v32, _, _ =	vpop (xrf2);
	v33 =	vshra.s32 v10, $0x1;
	v34 =	vmul.f32 $5.000000000e-01, v10  }
0x7c: {  	v9 =	vsel vm14, v9, v32;
	v35 =	vsub.s32 $0x5F3759DF, v33  }
0x7d: {  	v36 =	vshra.s32 v9, $0x1;
	v37 =	vmul.f32 $5.000000000e-01, v9;
	v13 =	vmul.f32 v35, v34  }
0x7e: {  	v18 =	vsub.s32 $0x5F3759DF, v36  }
0x7f: {  	v38 =	vmul.f32 v18, v37;
	v13 =	vmul.f32 v35, v13;
	_ =	sdelay $0x1  }
0x80: {  	v23 =	vmul.f32 v18, v38;
	v13 =	vsub.f32 $1.500000000e+00, v13;
	_ =	sdelay $0x1  }
0x81: {  	v0 =	vbroadcast v0, $0xF;
	v39 =	vsub.f32 $1.500000000e+00, v23;
	v11 =	vmul.f32 v35, v13  }
0x82: {  	v1 =	vbroadcast v1, $0xF;
	v2 =	vbroadcast v2, $0xF  }
0x83: {  	v13 =	vmul.f32 v18, v39;
	v40 =	vmul.f32 v11, v34  }
0x84: {  	v0 =	vsel vm0, v0, v1;
	v3 =	vbroadcast v3, $0xF  }
0x85: {  	v0 =	vsel vm1, v0, v2;
	v42 =	vmul.f32 v13, v37;
	v44 =	vmul.f32 v40, v11  }
0x86: {  	v0 =	vsel vm2, v0, v3;
	v41 =	vmul.f32 v21, v29;
	v43 =	vbroadcast v4, $0xF  }
0x87: {  	v45 =	vbroadcast v5, $0xF;
	v46 =	vmul.f32 v42, v13;
	v4 =	vsub.f32 $1.500000000e+00, v44  }
0x88: {  	v48 =	vbroadcast v7, $0xF;
	v47 =	vbroadcast v6, $0xF;
	v0 =	vsel vm3, v0, v43;
	(xrf2) =	vadd.scan.msk.f32 $0xffff, v41  }
0x89: {  	v0 =	vsel vm4, v0, v45;
	v49 =	vsub.f32 $1.500000000e+00, v46;
	v50 =	vmul.f32 v4, v11  }
0x8a: {  	v53 =	vbroadcast v14, $0xF;
	v51 =	vbroadcast v8, $0xF;
	v0 =	vsel vm5, v0, v47  }
0x8b: {  	v0 =	vsel vm6, v0, v48;
	v52 =	vmul.f32 v49, v13;
	v55 =	vmul.f32 v50, v34  }
0x8c: {  	v54 =	vbroadcast v12, $0xF;
	v0 =	vsel vm7, v0, v51;
	v56 =	vbroadcast v19, $0xF  }
0x8d: {  	v0 =	vsel vm8, v0, v53;
	v58 =	vmul.f32 v52, v37;
	v57 =	vmul.f32 v55, v50  }
0x8e: {  	v59 =	vbroadcast v22, $0xF;
	v0 =	vsel vm9, v0, v54;
	v60 =	vbroadcast v60, $0xF  }
0x8f: {  	v0 =	vsel vm10, v0, v56;
	v5 =	vmul.f32 v58, v52;
	v4 =	vsub.f32 $1.500000000e+00, v57  }
0x90: {  	v0 =	vsel vm11, v0, v59;
	v61 =	vbroadcast v27, $0xF  }
0x91: {  	v0 =	vsel vm12, v0, v60;
	v62 =	vsub.f32 $1.500000000e+00, v5;
	v2 =	vmul.f32 v4, v50  }
0x92: {  	v0 =	vsel vm13, v0, v61;
	vm15 =	vgt.f32 v10, $1.000000000e+00;
	v63, _, _ =	vpop (xrf2)  }
0x93: {  	v0 =	vsel vm14, v0, v63;
	v1 =	vmul.f32 v62, v52;
	v2 =	vnsel vm15, $0x3F800000, v2  }
0x94: {  	vm15 =	vgt.f32 v9, $1.000000000e+00;
	v0 =	vmul.f32 v2, v0  }
0x95: {  	v1 =	vnsel vm15, $0x3F800000, v1  }
0x96: {  	v0 =	vmul.f32 v1, v0;
	_ =	sdelay $0x1  }
0x97: {  	v0 =	vsub.f32 $0.0e+00, v0;
	_ =	sdelay $0x1  }
0x98: {  	v0 =	vmul.f32 $1.442695020e+00, v0;
	_ =	sdelay $0x1  }
0x99: {  	(erf) = vpow2.f32 v0;
	_ =	sdelay $0x8  }
0x9a: {  	v0 =	vpop (erf)  }
0x9b: {  	v0 =	vadd.f32 $1.000000000e+00, v0;
	_ =	sdelay $0x1  }
0x9c: {  	(erf) = vrcp.f32 v0;
	_ =	sdelay $0x4  }
0x9d: {  	p0 =	sne.s32 s28, $0x7C0  }
.Ltmp0:
0x9e: {  	_ = 	snop;
	(pc) =	sbr.rel @p0 .LBB2_2-.Ltmp0, $3  }
0x9f: {  	_ =	sdelay $0x1  }
0xa0: {  	s29 =	sshra.s32 s28, $0x2;
	v0 =	vpop (erf)  }
0xa1: {  	s28 =	sadd.s32 $0x40, s28;
	s26 =	sadd.s32 $0x200, s26;
	[tilespmem:s29+$0x4400] =	vst v0  }
0xa2: {  	s25 =	sadd.s32 $0x1, s25  }
0xa3: {  	p0 =	sne.s32 s25, s6  }
.Ltmp1:
0xa4: {  	_ = 	snop;
	(pc) =	sbr.rel @p0 .LBB2_1-.Ltmp1, $4  }
0xa5: {  	[hbm4b:s5+s2] =	stream.linear.scatter [tilespmem:s24], [sflag:$0x2], $0x200, $0x38;
	[tilespmem:$0x4600] =	vst v63  }
0xa6: {  	_ =	swait.ge [sflag:s7], $0x200  }
0xa7: {  	[sflag:s7] =	ssyncset.done $0x0  }
0xa8: {  	[sflag:s7] =	ssyncadd.s32 $0xFFFFFE00  }
0xa9: {  	_ =	sfence.sel $0x180000  }
0xaa: {  	[bflag:$0x0] =	sbarrier.arrive $0xFFFF  }
0xab: {  	p0 =	sne.s32 s1, $0x0;
	_ =	strace $0x90000047  }
0xac: {  	s0 =	sadd.s32 @!p0 $0x100000, s0;
	[bflag:$0x2] =	sbarrier.arrive $0xFFFF  }
0xad: {  	[sflag:s0] =	ssyncadd.tile.s32 @!p0 $0x1;
	_ =	shalt  }
.Lfunc_end2:
_tile_overlayer_lowered:
.L_overlay_start_2:
0xae: {  	(tag) =	ssettag $0x2  }
0xaf: {  	s0 =	rddreg [dreg:$0x0];
	s2 =	stileid.u32  }
0xb0: {  	s1 =	rddreg [dreg:$0x1];
	p0 =	sne.s32 s2, $0x0  }
0xb1: {  	s3 =	rddreg [dreg:$0x2];
	[bflag:$0x3] =	sbarrier.arrive $0xFFFF;
	s2 =	simm.s32 @!p0 $0x1C02  }
0xb2: {  	[timem:s3], [sflag:s2] =	dma.local @!p0 [hbm:s0], s1  }
0xb3: {  	s0 =	simm.s32 @!p0 $0x2  }
0xb4: {  	_ =	swait.ge @!p0 [sflag:s0], s1  }
0xb5: {  	s1 =	ssub.s32 @!p0 $0x0, s1;
	[sflag:s0] =	ssyncset.done @!p0 $0x0  }
0xb6: {  	[sflag:s0] =	ssyncadd.s32 @!p0 s1  }
0xb7: {  	[bflag:$0x3] =	sbarrier.arrive $0xFFFF  }
0xb8: {  	_ =	shalt  }

</sc_bundles>
